<compile_context>
chip_gen: v7x
topology: tpu7x:2x2x1
jax: 0.10.2.dev20260603
libtpu: 0.0.44.dev20260713+nightly
codegen_flags: <defaults>
</compile_context>

<pallas_src>
import functools

import jax
import jax.numpy as jnp
from jax import lax
from jax.experimental import pallas as pl
from jax.experimental.pallas import tpu as pltpu
from jax.experimental.pallas import tpu_sc as plsc

_L = 16
_PC = 2048
_NBUF = 2


def _build_sc_call(B, C, P, K):
    info = plsc.get_sparse_core_info()
    NC, NS = info.num_cores, info.num_subcores
    NW = NC * NS
    assert (B * C) % NW == 0
    CPT = (B * C) // NW
    TPB = NW // B
    assert C == CPT * TPB
    assert P % _PC == 0
    NCHUNK = P // _PC
    assert NCHUNK % _NBUF == 0
    NV = _PC // _L

    mesh = plsc.VectorSubcoreMesh(core_axis_name="c", subcore_axis_name="s")

    @functools.partial(
        pl.kernel,
        out_type=jax.ShapeDtypeStruct((B * C * K,), jnp.float32),
        mesh=mesh,
        scratch_types=[
            pltpu.VMEM((_NBUF, _PC // _L, _L), jnp.int32),
            pltpu.VMEM((_NBUF, CPT, _PC // _L, _L), jnp.float32),
        ] + [pltpu.VMEM((4 * K,), jnp.float32) for _ in range(CPT + 1)] + [
            pltpu.SemaphoreType.DMA,
            pltpu.SemaphoreType.DMA,
        ],
        compiler_params=pltpu.CompilerParams(
            use_tc_tiling_on_sc=False, needs_layout_passes=False),
    )
    def sc_pool(img_hbm, spx_hbm, out_hbm, idx_buf, data_buf, *rest):
        accs = rest[:CPT]
        cnt = rest[CPT]
        sem0, sem1 = rest[CPT + 1], rest[CPT + 2]
        wid = lax.axis_index("s") * NC + lax.axis_index("c")
        b = wid // TPB
        cg = wid % TPB
        row0 = b * C + cg * CPT

        sems = (sem0, sem1)
        zero16 = jnp.zeros((_L,), jnp.float32)
        ones16 = jnp.ones((_L,), jnp.float32)

        @plsc.parallel_loop(0, (4 * K) // _L, unroll=4)
        def _zero_acc(v):
            for cc in range(CPT):
                accs[cc][pl.ds(v * _L, _L)] = zero16
            cnt[pl.ds(v * _L, _L)] = zero16

        lane4 = lax.iota(jnp.int32, _L) & jnp.int32(3)

        NG = _PC // _L

        def chunk_of(i):
            return lax.rem(i + cg * (NCHUNK // TPB), NCHUNK)

        def issue(ch, buf):
            g0 = ch * NG
            pltpu.async_copy(spx_hbm.at[b, pl.ds(g0, NG), :],
                             idx_buf.at[buf], sems[buf])
            pltpu.async_copy(img_hbm.at[pl.ds(row0, CPT), pl.ds(g0, NG), :],
                             data_buf.at[buf], sems[buf])

        def wait(buf):
            pltpu.make_async_copy(spx_hbm.at[b, pl.ds(0, NG), :],
                                  idx_buf.at[buf], sems[buf]).wait()
            pltpu.make_async_copy(img_hbm.at[pl.ds(row0, CPT), pl.ds(0, NG), :],
                                  data_buf.at[buf], sems[buf]).wait()

        issue(chunk_of(0), 0)

        @pl.loop(0, NCHUNK // _NBUF)
        def _chunk_group(g):
            for buf in range(_NBUF):
                i = g * _NBUF + buf
                wait(buf)

                @pl.when(i + 1 < NCHUNK)
                def _prefetch():
                    issue(chunk_of(i + 1), 1 - buf)

                @plsc.parallel_loop(0, NV, unroll=2)
                def _vec(v):
                    iv = (idx_buf[buf, v] << 2) | lane4
                    plsc.addupdate_scatter(cnt, [iv], ones16)
                    for cc in range(CPT):
                        x = data_buf[buf, cc, v]
                        plsc.addupdate_scatter(accs[cc], [iv], x)

        iotaL = lax.iota(jnp.int32, _L)

        @pl.loop(0, K // _L)
        def _finalize(v):
            base = v * _L
            g0 = (base + iotaL) << 2
            c4 = (plsc.load_gather(cnt, [g0]) +
                  plsc.load_gather(cnt, [g0 + 1]) +
                  plsc.load_gather(cnt, [g0 + 2]) +
                  plsc.load_gather(cnt, [g0 + 3]))
            r = 1.0 / jnp.maximum(c4, 1.0)
            for cc in range(CPT):
                s4 = (plsc.load_gather(accs[cc], [g0]) +
                      plsc.load_gather(accs[cc], [g0 + 1]) +
                      plsc.load_gather(accs[cc], [g0 + 2]) +
                      plsc.load_gather(accs[cc], [g0 + 3]))
                accs[cc][pl.ds(base, _L)] = s4 * r

        for cc in range(CPT):
            pltpu.sync_copy(accs[cc].at[pl.ds(0, K)],
                            out_hbm.at[pl.ds((row0 + cc) * K, K)])

    return sc_pool


def kernel(img, spx):
    B, C, H, W = img.shape
    P = H * W
    K = 1024
    img2 = img.reshape(B * C, P // 16, 16)
    spx2 = spx.reshape(B, P // 16, 16)
    out = _build_sc_call(B, C, P, K)(img2, spx2)
    return out.reshape(B, C, K)

# --- scband reference (transcript-rebuilt; emitter-appended) ---
"""Pipeline reference for scband-ave-sup-pix-pool-17179869890 (READ-ONLY COPY).

The authoritative reference and input builder live on the scoring server;
editing this copy changes nothing except your own understanding.
"""

import jax, jax.numpy as jnp
import numpy as np

K = 1024

def setup_inputs(seed: int = 0) -> dict:
    key = jax.random.key(seed)
    k1, k2 = jax.random.split(key)
    img = jax.random.normal(k1, (4, 96, 384, 384), dtype=jnp.float32)
    spx = jax.random.randint(k2, (4, 384, 384), 0, K, dtype=jnp.int32)
    return {"img": img, "spx": spx}

def reference(img, spx):
    # AveSupPixPool: average-pool image features over superpixel segments.
    # img: [B, C, H, W], spx: [B, H, W] int labels in [0, K).
    # Output: [B, C, K] with mean feature per superpixel.
    B, C, H, W = img.shape
    P = H * W
    data = img.reshape(B, C, P).transpose(0, 2, 1).reshape(B * P, C)
    ids = (spx.reshape(B, P) + jnp.arange(B, dtype=spx.dtype)[:, None] * K).reshape(-1)
    sums = jax.ops.segment_sum(data, ids, num_segments=B * K)
    counts = jax.ops.segment_sum(jnp.ones((B * P,), dtype=jnp.float32), ids, num_segments=B * K)
    out = sums / jnp.maximum(counts, 1.0)[:, None]
    return out.reshape(B, K, C).transpose(0, 2, 1)

if __name__ == "__main__":
    import jax
    _d = setup_inputs()
    print(jax.jit(kernel)(*tuple(_d.values())))

</pallas_src>

<mosaic_0001>
#map = affine_map<(d0, d1) -> (0, 0, 0)>
#map1 = affine_map<(d0, d1) -> (0)>
module attributes {stable_mosaic.version = 14 : i64} {
  func.func @sc_pool(%arg0: i32, %arg1: i32, %arg2: memref<384x9216x16xf32, #tpu.memory_space<hbm>>, %arg3: memref<4x9216x16xi32, #tpu.memory_space<hbm>>, %arg4: memref<393216xf32, #tpu.memory_space<hbm>>, %arg5: memref<2x128x16xi32, #tpu.memory_space<vmem>>, %arg6: memref<2x12x128x16xf32, #tpu.memory_space<vmem>>, %arg7: memref<4096xf32, #tpu.memory_space<vmem>>, %arg8: memref<4096xf32, #tpu.memory_space<vmem>>, %arg9: memref<4096xf32, #tpu.memory_space<vmem>>, %arg10: memref<4096xf32, #tpu.memory_space<vmem>>, %arg11: memref<4096xf32, #tpu.memory_space<vmem>>, %arg12: memref<4096xf32, #tpu.memory_space<vmem>>, %arg13: memref<4096xf32, #tpu.memory_space<vmem>>, %arg14: memref<4096xf32, #tpu.memory_space<vmem>>, %arg15: memref<4096xf32, #tpu.memory_space<vmem>>, %arg16: memref<4096xf32, #tpu.memory_space<vmem>>, %arg17: memref<4096xf32, #tpu.memory_space<vmem>>, %arg18: memref<4096xf32, #tpu.memory_space<vmem>>, %arg19: memref<4096xf32, #tpu.memory_space<vmem>>, %arg20: memref<!tpu.dma_semaphore, #tpu.memory_space<semaphore_mem>>, %arg21: memref<!tpu.dma_semaphore, #tpu.memory_space<semaphore_mem>>) attributes {dimension_semantics = [#tpu.dimension_semantics<core_parallel>, #tpu.dimension_semantics<subcore_parallel>], iteration_bounds = array<i64: 2, 16>, scalar_prefetch = 0 : i64, scratch_operands = 17 : i64, tpu.core_type = #tpu.core_type<sc_vector_subcore>, window_params = [{transform_indices = #map}, {transform_indices = #map}, {transform_indices = #map1}]} {
    %mul3A = arith.constant 2 : i32
    %mul3A_0 = arith.muli %arg1, %mul3A : i32
    %add3A = arith.addi %mul3A_0, %arg0 : i32
    %jit3A = arith.constant 8 : i32
    %div3A = arith.divsi %add3A, %jit3A : i32
    %sign3A = arith.constant 0 : i32
    %sign3A_1 = arith.cmpi sgt, %add3A, %sign3A : i32
    %sign3A_2 = arith.extui %sign3A_1 : i1 to i32
    %sign3A_3 = arith.constant 0 : i32
    %sign3A_4 = arith.cmpi slt, %add3A, %sign3A_3 : i32
    %sign3A_5 = arith.extui %sign3A_4 : i1 to i32
    %sign3A_6 = arith.subi %sign3A_2, %sign3A_5 : i32
    %sign3A_7 = arith.constant 0 : i32
    %sign3A_8 = arith.cmpi sgt, %jit3A, %sign3A_7 : i32
    %sign3A_9 = arith.extui %sign3A_8 : i1 to i32
    %sign3A_10 = arith.constant 0 : i32
    %sign3A_11 = arith.cmpi slt, %jit3A, %sign3A_10 : i32
    %sign3A_12 = arith.extui %sign3A_11 : i1 to i32
    %sign3A_13 = arith.subi %sign3A_9, %sign3A_12 : i32
    %ne3A = arith.cmpi ne, %sign3A_6, %sign3A_13 : i32
    %rem3A = arith.remsi %add3A, %jit3A : i32
    %ne3A_14 = arith.constant 0 : i32
    %ne3A_15 = arith.cmpi ne, %rem3A, %ne3A_14 : i32
    %and3A = arith.andi %ne3A, %ne3A_15 : i1
    %sub3A = arith.constant 1 : i32
    %sub3A_16 = arith.subi %div3A, %sub3A : i32
    %select_n3A = arith.select %and3A, %sub3A_16, %div3A : i32
    %jit3A_17 = arith.constant 8 : i32
    %eq3A = arith.constant 0 : i32
    %eq3A_18 = arith.cmpi eq, %jit3A_17, %eq3A : i32
    %jit3A_19 = arith.constant 1 : i32
    %select_n3A_20 = arith.select %eq3A_18, %jit3A_19, %jit3A_17 : i32
    %rem3A_21 = arith.remsi %add3A, %select_n3A_20 : i32
    %ne3A_22 = arith.constant 0 : i32
    %ne3A_23 = arith.cmpi ne, %rem3A_21, %ne3A_22 : i32
    %lt3A = arith.constant 0 : i32
    %lt3A_24 = arith.cmpi slt, %rem3A_21, %lt3A : i32
    %lt3A_25 = arith.constant 0 : i32
    %lt3A_26 = arith.cmpi slt, %select_n3A_20, %lt3A_25 : i32
    %ne3A_27 = arith.xori %lt3A_24, %lt3A_26 : i1
    %and3A_28 = arith.andi %ne3A_27, %ne3A_23 : i1
    %add3A_29 = arith.addi %rem3A_21, %select_n3A_20 : i32
    %select_n3A_30 = arith.select %and3A_28, %add3A_29, %rem3A_21 : i32
    %mul3A_31 = arith.constant 96 : i32
    %mul3A_32 = arith.muli %select_n3A, %mul3A_31 : i32
    %mul3A_33 = arith.constant 12 : i32
    %mul3A_34 = arith.muli %select_n3A_30, %mul3A_33 : i32
    %add3A_35 = arith.addi %mul3A_32, %mul3A_34 : i32
    %broadcast_in_dim3A = arith.constant 0.000000e+00 : f32
    %broadcast_in_dim3A_36 = vector.broadcast %broadcast_in_dim3A : f32 to vector<16xf32>
    %broadcast_in_dim3A_37 = arith.constant 1.000000e+00 : f32
    %broadcast_in_dim3A_38 = vector.broadcast %broadcast_in_dim3A_37 : f32 to vector<16xf32>
    %parallel_loop3A = arith.constant 0 : i32
    %parallel_loop3A_39 = arith.constant 256 : i32
    %parallel_loop3A_40 = arith.constant 1 : i32
    scf.for %parallel_loop3A_139 = %parallel_loop3A to %parallel_loop3A_39 step %parallel_loop3A_40  : i32 {
      %parallel_loop3A_140 = arith.constant 16 : i32
      %parallel_loop3A_141 = arith.muli %parallel_loop3A_139, %parallel_loop3A_140 : i32
      %parallel_loop3A_142 = arith.index_cast %parallel_loop3A_141 : i32 to index
      %parallel_loop3A_143 = tpu.vector_load %arg7[%parallel_loop3A_142] {strides = array<i32>} : memref<4096xf32, #tpu.memory_space<vmem>>, vector<16xf32>,
      tpu.vector_store %arg7[%parallel_loop3A_142], %broadcast_in_dim3A_36 {strides = array<i32>} : memref<4096xf32, #tpu.memory_space<vmem>>, vector<16xf32>,
      %parallel_loop3A_144 = arith.constant 16 : i32
      %parallel_loop3A_145 = arith.muli %parallel_loop3A_139, %parallel_loop3A_144 : i32
      %parallel_loop3A_146 = arith.index_cast %parallel_loop3A_145 : i32 to index
      %parallel_loop3A_147 = tpu.vector_load %arg8[%parallel_loop3A_146] {strides = array<i32>} : memref<4096xf32, #tpu.memory_space<vmem>>, vector<16xf32>,
      tpu.vector_store %arg8[%parallel_loop3A_146], %broadcast_in_dim3A_36 {strides = array<i32>} : memref<4096xf32, #tpu.memory_space<vmem>>, vector<16xf32>,
      %parallel_loop3A_148 = arith.constant 16 : i32
      %parallel_loop3A_149 = arith.muli %parallel_loop3A_139, %parallel_loop3A_148 : i32
      %parallel_loop3A_150 = arith.index_cast %parallel_loop3A_149 : i32 to index
      %parallel_loop3A_151 = tpu.vector_load %arg9[%parallel_loop3A_150] {strides = array<i32>} : memref<4096xf32, #tpu.memory_space<vmem>>, vector<16xf32>,
      tpu.vector_store %arg9[%parallel_loop3A_150], %broadcast_in_dim3A_36 {strides = array<i32>} : memref<4096xf32, #tpu.memory_space<vmem>>, vector<16xf32>,
      %parallel_loop3A_152 = arith.constant 16 : i32
      %parallel_loop3A_153 = arith.muli %parallel_loop3A_139, %parallel_loop3A_152 : i32
      %parallel_loop3A_154 = arith.index_cast %parallel_loop3A_153 : i32 to index
      %parallel_loop3A_155 = tpu.vector_load %arg10[%parallel_loop3A_154] {strides = array<i32>} : memref<4096xf32, #tpu.memory_space<vmem>>, vector<16xf32>,
      tpu.vector_store %arg10[%parallel_loop3A_154], %broadcast_in_dim3A_36 {strides = array<i32>} : memref<4096xf32, #tpu.memory_space<vmem>>, vector<16xf32>,
      %parallel_loop3A_156 = arith.constant 16 : i32
      %parallel_loop3A_157 = arith.muli %parallel_loop3A_139, %parallel_loop3A_156 : i32
      %parallel_loop3A_158 = arith.index_cast %parallel_loop3A_157 : i32 to index
      %parallel_loop3A_159 = tpu.vector_load %arg11[%parallel_loop3A_158] {strides = array<i32>} : memref<4096xf32, #tpu.memory_space<vmem>>, vector<16xf32>,
      tpu.vector_store %arg11[%parallel_loop3A_158], %broadcast_in_dim3A_36 {strides = array<i32>} : memref<4096xf32, #tpu.memory_space<vmem>>, vector<16xf32>,
      %parallel_loop3A_160 = arith.constant 16 : i32
      %parallel_loop3A_161 = arith.muli %parallel_loop3A_139, %parallel_loop3A_160 : i32
      %parallel_loop3A_162 = arith.index_cast %parallel_loop3A_161 : i32 to index
      %parallel_loop3A_163 = tpu.vector_load %arg12[%parallel_loop3A_162] {strides = array<i32>} : memref<4096xf32, #tpu.memory_space<vmem>>, vector<16xf32>,
      tpu.vector_store %arg12[%parallel_loop3A_162], %broadcast_in_dim3A_36 {strides = array<i32>} : memref<4096xf32, #tpu.memory_space<vmem>>, vector<16xf32>,
      %parallel_loop3A_164 = arith.constant 16 : i32
      %parallel_loop3A_165 = arith.muli %parallel_loop3A_139, %parallel_loop3A_164 : i32
      %parallel_loop3A_166 = arith.index_cast %parallel_loop3A_165 : i32 to index
      %parallel_loop3A_167 = tpu.vector_load %arg13[%parallel_loop3A_166] {strides = array<i32>} : memref<4096xf32, #tpu.memory_space<vmem>>, vector<16xf32>,
      tpu.vector_store %arg13[%parallel_loop3A_166], %broadcast_in_dim3A_36 {strides = array<i32>} : memref<4096xf32, #tpu.memory_space<vmem>>, vector<16xf32>,
      %parallel_loop3A_168 = arith.constant 16 : i32
      %parallel_loop3A_169 = arith.muli %parallel_loop3A_139, %parallel_loop3A_168 : i32
      %parallel_loop3A_170 = arith.index_cast %parallel_loop3A_169 : i32 to index
      %parallel_loop3A_171 = tpu.vector_load %arg14[%parallel_loop3A_170] {strides = array<i32>} : memref<4096xf32, #tpu.memory_space<vmem>>, vector<16xf32>,
      tpu.vector_store %arg14[%parallel_loop3A_170], %broadcast_in_dim3A_36 {strides = array<i32>} : memref<4096xf32, #tpu.memory_space<vmem>>, vector<16xf32>,
      %parallel_loop3A_172 = arith.constant 16 : i32
      %parallel_loop3A_173 = arith.muli %parallel_loop3A_139, %parallel_loop3A_172 : i32
      %parallel_loop3A_174 = arith.index_cast %parallel_loop3A_173 : i32 to index
      %parallel_loop3A_175 = tpu.vector_load %arg15[%parallel_loop3A_174] {strides = array<i32>} : memref<4096xf32, #tpu.memory_space<vmem>>, vector<16xf32>,
      tpu.vector_store %arg15[%parallel_loop3A_174], %broadcast_in_dim3A_36 {strides = array<i32>} : memref<4096xf32, #tpu.memory_space<vmem>>, vector<16xf32>,
      %parallel_loop3A_176 = arith.constant 16 : i32
      %parallel_loop3A_177 = arith.muli %parallel_loop3A_139, %parallel_loop3A_176 : i32
      %parallel_loop3A_178 = arith.index_cast %parallel_loop3A_177 : i32 to index
      %parallel_loop3A_179 = tpu.vector_load %arg16[%parallel_loop3A_178] {strides = array<i32>} : memref<4096xf32, #tpu.memory_space<vmem>>, vector<16xf32>,
      tpu.vector_store %arg16[%parallel_loop3A_178], %broadcast_in_dim3A_36 {strides = array<i32>} : memref<4096xf32, #tpu.memory_space<vmem>>, vector<16xf32>,
      %parallel_loop3A_180 = arith.constant 16 : i32
      %parallel_loop3A_181 = arith.muli %parallel_loop3A_139, %parallel_loop3A_180 : i32
      %parallel_loop3A_182 = arith.index_cast %parallel_loop3A_181 : i32 to index
      %parallel_loop3A_183 = tpu.vector_load %arg17[%parallel_loop3A_182] {strides = array<i32>} : memref<4096xf32, #tpu.memory_space<vmem>>, vector<16xf32>,
      tpu.vector_store %arg17[%parallel_loop3A_182], %broadcast_in_dim3A_36 {strides = array<i32>} : memref<4096xf32, #tpu.memory_space<vmem>>, vector<16xf32>,
      %parallel_loop3A_184 = arith.constant 16 : i32
      %parallel_loop3A_185 = arith.muli %parallel_loop3A_139, %parallel_loop3A_184 : i32
      %parallel_loop3A_186 = arith.index_cast %parallel_loop3A_185 : i32 to index
      %parallel_loop3A_187 = tpu.vector_load %arg18[%parallel_loop3A_186] {strides = array<i32>} : memref<4096xf32, #tpu.memory_space<vmem>>, vector<16xf32>,
      tpu.vector_store %arg18[%parallel_loop3A_186], %broadcast_in_dim3A_36 {strides = array<i32>} : memref<4096xf32, #tpu.memory_space<vmem>>, vector<16xf32>,
      %parallel_loop3A_188 = arith.constant 16 : i32
      %parallel_loop3A_189 = arith.muli %parallel_loop3A_139, %parallel_loop3A_188 : i32
      %parallel_loop3A_190 = arith.index_cast %parallel_loop3A_189 : i32 to index
      %parallel_loop3A_191 = tpu.vector_load %arg19[%parallel_loop3A_190] {strides = array<i32>} : memref<4096xf32, #tpu.memory_space<vmem>>, vector<16xf32>,
      tpu.vector_store %arg19[%parallel_loop3A_190], %broadcast_in_dim3A_36 {strides = array<i32>} : memref<4096xf32, #tpu.memory_space<vmem>>, vector<16xf32>,
    } {sc.loop_unroll_factor = 4 : i64, sc.parallel_access}
    %iota3A = tpu.iota {dimensions = array<i32: 0>} : vector<16xi32>
    %and3A_41 = arith.constant 3 : i32
    %and3A_42 = vector.broadcast %and3A_41 : i32 to vector<16xi32>
    %and3A_43 = arith.andi %iota3A, %and3A_42 : vector<16xi32>
    %mul3A_44 = arith.constant 9 : i32
    %mul3A_45 = arith.muli %select_n3A_30, %mul3A_44 : i32
    %add3A_46 = arith.constant 0 : i32
    %add3A_47 = arith.addi %add3A_46, %mul3A_45 : i32
    %rem3A_48 = arith.constant 72 : i32
    %rem3A_49 = arith.remsi %add3A_47, %rem3A_48 : i32
    %mul3A_50 = arith.constant 128 : i32
    %mul3A_51 = arith.muli %rem3A_49, %mul3A_50 : i32
    %dma_start3A = arith.constant 0 : i32
    %dma_start3A_52 = arith.constant 0 : i32
    %dma_start3A_53 = arith.constant 0 : i32
    %dma_start3A_54 = tpu.memref_slice %arg5[%dma_start3A, %dma_start3A_52, %dma_start3A_53] : memref<2x128x16xi32, #tpu.memory_space<vmem>> -> memref<1x128x16xi32, #tpu.memory_space<vmem>>
    %dma_start3A_55 = tpu.memref_squeeze %dma_start3A_54 : memref<1x128x16xi32, #tpu.memory_space<vmem>> -> memref<128x16xi32, #tpu.memory_space<vmem>>
    %dma_start3A_56 = arith.constant 0 : i32
    %dma_start3A_57 = tpu.memref_slice %arg3[%select_n3A, %mul3A_51, %dma_start3A_56] : memref<4x9216x16xi32, #tpu.memory_space<hbm>> -> memref<1x128x16xi32, #tpu.memory_space<hbm>>
    %dma_start3A_58 = tpu.memref_squeeze %dma_start3A_57 : memref<1x128x16xi32, #tpu.memory_space<hbm>> -> memref<128x16xi32, #tpu.memory_space<hbm>>
    %dma_start3A_59 = arith.constant 0 : i32
    %dma_start3A_60 = arith.constant 0 : i32
    %dma_start3A_61 = tpu.memref_slice %arg5[%dma_start3A, %dma_start3A_59, %dma_start3A_60] : memref<2x128x16xi32, #tpu.memory_space<vmem>> -> memref<1x128x16xi32, #tpu.memory_space<vmem>>
    %dma_start3A_62 = tpu.memref_squeeze %dma_start3A_61 : memref<1x128x16xi32, #tpu.memory_space<vmem>> -> memref<128x16xi32, #tpu.memory_space<vmem>>
    %dma_start3A_63 = arith.constant 0 : i32
    %dma_start3A_64 = tpu.memref_slice %arg3[%select_n3A, %mul3A_51, %dma_start3A_63] : memref<4x9216x16xi32, #tpu.memory_space<hbm>> -> memref<1x128x16xi32, #tpu.memory_space<hbm>>
    %dma_start3A_65 = tpu.memref_squeeze %dma_start3A_64 : memref<1x128x16xi32, #tpu.memory_space<hbm>> -> memref<128x16xi32, #tpu.memory_space<hbm>>
    tpu.enqueue_dma source(%dma_start3A_65 : memref<128x16xi32, #tpu.memory_space<hbm>>) target(%dma_start3A_62 : memref<128x16xi32, #tpu.memory_space<vmem>>) target_semaphore(%arg20 : memref<!tpu.dma_semaphore, #tpu.memory_space<semaphore_mem>>)
    %dma_start3A_66 = arith.constant 0 : i32
    %dma_start3A_67 = arith.constant 0 : i32
    %dma_start3A_68 = arith.constant 0 : i32
    %dma_start3A_69 = arith.constant 0 : i32
    %dma_start3A_70 = tpu.memref_slice %arg6[%dma_start3A_66, %dma_start3A_67, %dma_start3A_68, %dma_start3A_69] : memref<2x12x128x16xf32, #tpu.memory_space<vmem>> -> memref<1x12x128x16xf32, #tpu.memory_space<vmem>>
    %dma_start3A_71 = tpu.memref_squeeze %dma_start3A_70 : memref<1x12x128x16xf32, #tpu.memory_space<vmem>> -> memref<12x128x16xf32, #tpu.memory_space<vmem>>
    %dma_start3A_72 = arith.constant 0 : i32
    %dma_start3A_73 = tpu.memref_slice %arg2[%add3A_35, %mul3A_51, %dma_start3A_72] : memref<384x9216x16xf32, #tpu.memory_space<hbm>> -> memref<12x128x16xf32, #tpu.memory_space<hbm>>
    %dma_start3A_74 = arith.constant 0 : i32
    %dma_start3A_75 = arith.constant 0 : i32
    %dma_start3A_76 = arith.constant 0 : i32
    %dma_start3A_77 = tpu.memref_slice %arg6[%dma_start3A_66, %dma_start3A_74, %dma_start3A_75, %dma_start3A_76] : memref<2x12x128x16xf32, #tpu.memory_space<vmem>> -> memref<1x12x128x16xf32, #tpu.memory_space<vmem>>
    %dma_start3A_78 = tpu.memref_squeeze %dma_start3A_77 : memref<1x12x128x16xf32, #tpu.memory_space<vmem>> -> memref<12x128x16xf32, #tpu.memory_space<vmem>>
    %dma_start3A_79 = arith.constant 0 : i32
    %dma_start3A_80 = tpu.memref_slice %arg2[%add3A_35, %mul3A_51, %dma_start3A_79] : memref<384x9216x16xf32, #tpu.memory_space<hbm>> -> memref<12x128x16xf32, #tpu.memory_space<hbm>>
    tpu.enqueue_dma source(%dma_start3A_80 : memref<12x128x16xf32, #tpu.memory_space<hbm>>) target(%dma_start3A_78 : memref<12x128x16xf32, #tpu.memory_space<vmem>>) target_semaphore(%arg20 : memref<!tpu.dma_semaphore, #tpu.memory_space<semaphore_mem>>)
    %scan3A = arith.constant 0 : i32
    %scan3A_81 = arith.constant 36 : i32
    %scan3A_82 = arith.addi %scan3A, %scan3A_81 : i32
    %scan3A_83 = arith.constant 1 : i32
    scf.for %scan3A_139 = %scan3A to %scan3A_82 step %scan3A_83  : i32 {
      %mul3A_140 = arith.constant 1 : i32
      %mul3A_141 = arith.muli %scan3A_139, %mul3A_140 : i32
      %add3A_142 = arith.constant 0 : i32
      %add3A_143 = arith.addi %add3A_142, %mul3A_141 : i32
      %mul3A_144 = arith.constant 2 : i32
      %mul3A_145 = arith.muli %add3A_143, %mul3A_144 : i32
      %add3A_146 = arith.constant 0 : i32
      %add3A_147 = arith.addi %mul3A_145, %add3A_146 : i32
      %dma_wait3A = arith.constant 0 : i32
      %dma_wait3A_148 = arith.constant 0 : i32
      %dma_wait3A_149 = arith.constant 0 : i32
      %dma_wait3A_150 = tpu.memref_slice %arg5[%dma_wait3A, %dma_wait3A_148, %dma_wait3A_149] : memref<2x128x16xi32, #tpu.memory_space<vmem>> -> memref<1x128x16xi32, #tpu.memory_space<vmem>>
      %dma_wait3A_151 = tpu.memref_squeeze %dma_wait3A_150 : memref<1x128x16xi32, #tpu.memory_space<vmem>> -> memref<128x16xi32, #tpu.memory_space<vmem>>
      %dma_wait3A_152 = arith.constant 0 : i32
      %dma_wait3A_153 = arith.constant 0 : i32
      %dma_wait3A_154 = tpu.memref_slice %arg3[%select_n3A, %dma_wait3A_152, %dma_wait3A_153] : memref<4x9216x16xi32, #tpu.memory_space<hbm>> -> memref<1x128x16xi32, #tpu.memory_space<hbm>>
      %dma_wait3A_155 = tpu.memref_squeeze %dma_wait3A_154 : memref<1x128x16xi32, #tpu.memory_space<hbm>> -> memref<128x16xi32, #tpu.memory_space<hbm>>
      %dma_wait3A_156 = arith.constant 0 : i32
      %dma_wait3A_157 = arith.constant 0 : i32
      %dma_wait3A_158 = tpu.memref_slice %arg5[%dma_wait3A, %dma_wait3A_156, %dma_wait3A_157] : memref<2x128x16xi32, #tpu.memory_space<vmem>> -> memref<1x128x16xi32, #tpu.memory_space<vmem>>
      %dma_wait3A_159 = tpu.memref_squeeze %dma_wait3A_158 : memref<1x128x16xi32, #tpu.memory_space<vmem>> -> memref<128x16xi32, #tpu.memory_space<vmem>>
      %dma_wait3A_160 = arith.constant 0 : i32
      %dma_wait3A_161 = arith.constant 0 : i32
      %dma_wait3A_162 = tpu.memref_slice %arg3[%select_n3A, %dma_wait3A_160, %dma_wait3A_161] : memref<4x9216x16xi32, #tpu.memory_space<hbm>> -> memref<1x128x16xi32, #tpu.memory_space<hbm>>
      %dma_wait3A_163 = tpu.memref_squeeze %dma_wait3A_162 : memref<1x128x16xi32, #tpu.memory_space<hbm>> -> memref<128x16xi32, #tpu.memory_space<hbm>>
      tpu.wait_dma2 semaphore(%arg20 : memref<!tpu.dma_semaphore, #tpu.memory_space<semaphore_mem>>) src(%dma_wait3A_163 : memref<128x16xi32, #tpu.memory_space<hbm>>) dst(%dma_wait3A_159 : memref<128x16xi32, #tpu.memory_space<vmem>>)
      %dma_wait3A_164 = arith.constant 0 : i32
      %dma_wait3A_165 = arith.constant 0 : i32
      %dma_wait3A_166 = arith.constant 0 : i32
      %dma_wait3A_167 = arith.constant 0 : i32
      %dma_wait3A_168 = tpu.memref_slice %arg6[%dma_wait3A_164, %dma_wait3A_165, %dma_wait3A_166, %dma_wait3A_167] : memref<2x12x128x16xf32, #tpu.memory_space<vmem>> -> memref<1x12x128x16xf32, #tpu.memory_space<vmem>>
      %dma_wait3A_169 = tpu.memref_squeeze %dma_wait3A_168 : memref<1x12x128x16xf32, #tpu.memory_space<vmem>> -> memref<12x128x16xf32, #tpu.memory_space<vmem>>
      %dma_wait3A_170 = arith.constant 0 : i32
      %dma_wait3A_171 = arith.constant 0 : i32
      %dma_wait3A_172 = tpu.memref_slice %arg2[%add3A_35, %dma_wait3A_170, %dma_wait3A_171] : memref<384x9216x16xf32, #tpu.memory_space<hbm>> -> memref<12x128x16xf32, #tpu.memory_space<hbm>>
      %dma_wait3A_173 = arith.constant 0 : i32
      %dma_wait3A_174 = arith.constant 0 : i32
      %dma_wait3A_175 = arith.constant 0 : i32
      %dma_wait3A_176 = tpu.memref_slice %arg6[%dma_wait3A_164, %dma_wait3A_173, %dma_wait3A_174, %dma_wait3A_175] : memref<2x12x128x16xf32, #tpu.memory_space<vmem>> -> memref<1x12x128x16xf32, #tpu.memory_space<vmem>>
      %dma_wait3A_177 = tpu.memref_squeeze %dma_wait3A_176 : memref<1x12x128x16xf32, #tpu.memory_space<vmem>> -> memref<12x128x16xf32, #tpu.memory_space<vmem>>
      %dma_wait3A_178 = arith.constant 0 : i32
      %dma_wait3A_179 = arith.constant 0 : i32
      %dma_wait3A_180 = tpu.memref_slice %arg2[%add3A_35, %dma_wait3A_178, %dma_wait3A_179] : memref<384x9216x16xf32, #tpu.memory_space<hbm>> -> memref<12x128x16xf32, #tpu.memory_space<hbm>>
      tpu.wait_dma2 semaphore(%arg20 : memref<!tpu.dma_semaphore, #tpu.memory_space<semaphore_mem>>) src(%dma_wait3A_180 : memref<12x128x16xf32, #tpu.memory_space<hbm>>) dst(%dma_wait3A_177 : memref<12x128x16xf32, #tpu.memory_space<vmem>>)
      %add3A_181 = arith.constant 1 : i32
      %add3A_182 = arith.addi %add3A_147, %add3A_181 : i32
      %lt3A_183 = arith.constant 72 : i32
      %lt3A_184 = arith.cmpi slt, %add3A_182, %lt3A_183 : i32
      %convert_element_type3A = arith.extui %lt3A_184 : i1 to i32
      %cond3A = arith.constant 0 : i32
      %cond3A_185 = arith.cmpi ne, %convert_element_type3A, %cond3A : i32
      scf.if %cond3A_185 {
        %add3A_237 = arith.constant 1 : i32
        %add3A_238 = arith.addi %add3A_147, %add3A_237 : i32
        %mul3A_239 = arith.constant 9 : i32
        %mul3A_240 = arith.muli %select_n3A_30, %mul3A_239 : i32
        %add3A_241 = arith.addi %add3A_238, %mul3A_240 : i32
        %rem3A_242 = arith.constant 72 : i32
        %rem3A_243 = arith.remsi %add3A_241, %rem3A_242 : i32
        %mul3A_244 = arith.constant 128 : i32
        %mul3A_245 = arith.muli %rem3A_243, %mul3A_244 : i32
        %dma_start3A_246 = arith.constant 1 : i32
        %dma_start3A_247 = arith.constant 0 : i32
        %dma_start3A_248 = arith.constant 0 : i32
        %dma_start3A_249 = tpu.memref_slice %arg5[%dma_start3A_246, %dma_start3A_247, %dma_start3A_248] : memref<2x128x16xi32, #tpu.memory_space<vmem>> -> memref<1x128x16xi32, #tpu.memory_space<vmem>>
        %dma_start3A_250 = tpu.memref_squeeze %dma_start3A_249 : memref<1x128x16xi32, #tpu.memory_space<vmem>> -> memref<128x16xi32, #tpu.memory_space<vmem>>
        %dma_start3A_251 = arith.constant 0 : i32
        %dma_start3A_252 = tpu.memref_slice %arg3[%select_n3A, %mul3A_245, %dma_start3A_251] : memref<4x9216x16xi32, #tpu.memory_space<hbm>> -> memref<1x128x16xi32, #tpu.memory_space<hbm>>
        %dma_start3A_253 = tpu.memref_squeeze %dma_start3A_252 : memref<1x128x16xi32, #tpu.memory_space<hbm>> -> memref<128x16xi32, #tpu.memory_space<hbm>>
        %dma_start3A_254 = arith.constant 0 : i32
        %dma_start3A_255 = arith.constant 0 : i32
        %dma_start3A_256 = tpu.memref_slice %arg5[%dma_start3A_246, %dma_start3A_254, %dma_start3A_255] : memref<2x128x16xi32, #tpu.memory_space<vmem>> -> memref<1x128x16xi32, #tpu.memory_space<vmem>>
        %dma_start3A_257 = tpu.memref_squeeze %dma_start3A_256 : memref<1x128x16xi32, #tpu.memory_space<vmem>> -> memref<128x16xi32, #tpu.memory_space<vmem>>
        %dma_start3A_258 = arith.constant 0 : i32
        %dma_start3A_259 = tpu.memref_slice %arg3[%select_n3A, %mul3A_245, %dma_start3A_258] : memref<4x9216x16xi32, #tpu.memory_space<hbm>> -> memref<1x128x16xi32, #tpu.memory_space<hbm>>
        %dma_start3A_260 = tpu.memref_squeeze %dma_start3A_259 : memref<1x128x16xi32, #tpu.memory_space<hbm>> -> memref<128x16xi32, #tpu.memory_space<hbm>>
        tpu.enqueue_dma source(%dma_start3A_260 : memref<128x16xi32, #tpu.memory_space<hbm>>) target(%dma_start3A_257 : memref<128x16xi32, #tpu.memory_space<vmem>>) target_semaphore(%arg21 : memref<!tpu.dma_semaphore, #tpu.memory_space<semaphore_mem>>)
        %dma_start3A_261 = arith.constant 1 : i32
        %dma_start3A_262 = arith.constant 0 : i32
        %dma_start3A_263 = arith.constant 0 : i32
        %dma_start3A_264 = arith.constant 0 : i32
        %dma_start3A_265 = tpu.memref_slice %arg6[%dma_start3A_261, %dma_start3A_262, %dma_start3A_263, %dma_start3A_264] : memref<2x12x128x16xf32, #tpu.memory_space<vmem>> -> memref<1x12x128x16xf32, #tpu.memory_space<vmem>>
        %dma_start3A_266 = tpu.memref_squeeze %dma_start3A_265 : memref<1x12x128x16xf32, #tpu.memory_space<vmem>> -> memref<12x128x16xf32, #tpu.memory_space<vmem>>
        %dma_start3A_267 = arith.constant 0 : i32
        %dma_start3A_268 = tpu.memref_slice %arg2[%add3A_35, %mul3A_245, %dma_start3A_267] : memref<384x9216x16xf32, #tpu.memory_space<hbm>> -> memref<12x128x16xf32, #tpu.memory_space<hbm>>
        %dma_start3A_269 = arith.constant 0 : i32
        %dma_start3A_270 = arith.constant 0 : i32
        %dma_start3A_271 = arith.constant 0 : i32
        %dma_start3A_272 = tpu.memref_slice %arg6[%dma_start3A_261, %dma_start3A_269, %dma_start3A_270, %dma_start3A_271] : memref<2x12x128x16xf32, #tpu.memory_space<vmem>> -> memref<1x12x128x16xf32, #tpu.memory_space<vmem>>
        %dma_start3A_273 = tpu.memref_squeeze %dma_start3A_272 : memref<1x12x128x16xf32, #tpu.memory_space<vmem>> -> memref<12x128x16xf32, #tpu.memory_space<vmem>>
        %dma_start3A_274 = arith.constant 0 : i32
        %dma_start3A_275 = tpu.memref_slice %arg2[%add3A_35, %mul3A_245, %dma_start3A_274] : memref<384x9216x16xf32, #tpu.memory_space<hbm>> -> memref<12x128x16xf32, #tpu.memory_space<hbm>>
        tpu.enqueue_dma source(%dma_start3A_275 : memref<12x128x16xf32, #tpu.memory_space<hbm>>) target(%dma_start3A_273 : memref<12x128x16xf32, #tpu.memory_space<vmem>>) target_semaphore(%arg21 : memref<!tpu.dma_semaphore, #tpu.memory_space<semaphore_mem>>)
      } else {
      }
      %parallel_loop3A_186 = arith.constant 0 : i32
      %parallel_loop3A_187 = arith.constant 128 : i32
      %parallel_loop3A_188 = arith.constant 1 : i32
      scf.for %parallel_loop3A_237 = %parallel_loop3A_186 to %parallel_loop3A_187 step %parallel_loop3A_188  : i32 {
        %parallel_loop3A_238 = arith.constant 0 : i32
        %parallel_loop3A_239 = arith.index_cast %parallel_loop3A_238 : i32 to index
        %parallel_loop3A_240 = arith.index_cast %parallel_loop3A_237 : i32 to index
        %parallel_loop3A_241 = arith.constant 0 : index
        %parallel_loop3A_242 = tpu.vector_load %arg5[%parallel_loop3A_239, %parallel_loop3A_240, %parallel_loop3A_241] {strides = array<i32>} : memref<2x128x16xi32, #tpu.memory_space<vmem>>, vector<16xi32>,
        %parallel_loop3A_243 = arith.constant 2 : i32
        %parallel_loop3A_244 = vector.broadcast %parallel_loop3A_243 : i32 to vector<16xi32>
        %parallel_loop3A_245 = arith.shli %parallel_loop3A_242, %parallel_loop3A_244 : vector<16xi32>
        %parallel_loop3A_246 = arith.ori %parallel_loop3A_245, %and3A_43 : vector<16xi32>
        tpu.vector_store_idx %arg19[%parallel_loop3A_246], %broadcast_in_dim3A_38 {add = true} : memref<4096xf32, #tpu.memory_space<vmem>>[vector<16xi32>], vector<16xf32>,
        %parallel_loop3A_247 = arith.constant 0 : i32
        %parallel_loop3A_248 = arith.constant 0 : i32
        %parallel_loop3A_249 = arith.index_cast %parallel_loop3A_247 : i32 to index
        %parallel_loop3A_250 = arith.index_cast %parallel_loop3A_248 : i32 to index
        %parallel_loop3A_251 = arith.index_cast %parallel_loop3A_237 : i32 to index
        %parallel_loop3A_252 = arith.constant 0 : index
        %parallel_loop3A_253 = tpu.vector_load %arg6[%parallel_loop3A_249, %parallel_loop3A_250, %parallel_loop3A_251, %parallel_loop3A_252] {strides = array<i32>} : memref<2x12x128x16xf32, #tpu.memory_space<vmem>>, vector<16xf32>,
        tpu.vector_store_idx %arg7[%parallel_loop3A_246], %parallel_loop3A_253 {add = true} : memref<4096xf32, #tpu.memory_space<vmem>>[vector<16xi32>], vector<16xf32>,
        %parallel_loop3A_254 = arith.constant 0 : i32
        %parallel_loop3A_255 = arith.constant 1 : i32
        %parallel_loop3A_256 = arith.index_cast %parallel_loop3A_254 : i32 to index
        %parallel_loop3A_257 = arith.index_cast %parallel_loop3A_255 : i32 to index
        %parallel_loop3A_258 = arith.index_cast %parallel_loop3A_237 : i32 to index
        %parallel_loop3A_259 = arith.constant 0 : index
        %parallel_loop3A_260 = tpu.vector_load %arg6[%parallel_loop3A_256, %parallel_loop3A_257, %parallel_loop3A_258, %parallel_loop3A_259] {strides = array<i32>} : memref<2x12x128x16xf32, #tpu.memory_space<vmem>>, vector<16xf32>,
        tpu.vector_store_idx %arg8[%parallel_loop3A_246], %parallel_loop3A_260 {add = true} : memref<4096xf32, #tpu.memory_space<vmem>>[vector<16xi32>], vector<16xf32>,
        %parallel_loop3A_261 = arith.constant 0 : i32
        %parallel_loop3A_262 = arith.constant 2 : i32
        %parallel_loop3A_263 = arith.index_cast %parallel_loop3A_261 : i32 to index
        %parallel_loop3A_264 = arith.index_cast %parallel_loop3A_262 : i32 to index
        %parallel_loop3A_265 = arith.index_cast %parallel_loop3A_237 : i32 to index
        %parallel_loop3A_266 = arith.constant 0 : index
        %parallel_loop3A_267 = tpu.vector_load %arg6[%parallel_loop3A_263, %parallel_loop3A_264, %parallel_loop3A_265, %parallel_loop3A_266] {strides = array<i32>} : memref<2x12x128x16xf32, #tpu.memory_space<vmem>>, vector<16xf32>,
        tpu.vector_store_idx %arg9[%parallel_loop3A_246], %parallel_loop3A_267 {add = true} : memref<4096xf32, #tpu.memory_space<vmem>>[vector<16xi32>], vector<16xf32>,
        %parallel_loop3A_268 = arith.constant 0 : i32
        %parallel_loop3A_269 = arith.constant 3 : i32
        %parallel_loop3A_270 = arith.index_cast %parallel_loop3A_268 : i32 to index
        %parallel_loop3A_271 = arith.index_cast %parallel_loop3A_269 : i32 to index
        %parallel_loop3A_272 = arith.index_cast %parallel_loop3A_237 : i32 to index
        %parallel_loop3A_273 = arith.constant 0 : index
        %parallel_loop3A_274 = tpu.vector_load %arg6[%parallel_loop3A_270, %parallel_loop3A_271, %parallel_loop3A_272, %parallel_loop3A_273] {strides = array<i32>} : memref<2x12x128x16xf32, #tpu.memory_space<vmem>>, vector<16xf32>,
        tpu.vector_store_idx %arg10[%parallel_loop3A_246], %parallel_loop3A_274 {add = true} : memref<4096xf32, #tpu.memory_space<vmem>>[vector<16xi32>], vector<16xf32>,
        %parallel_loop3A_275 = arith.constant 0 : i32
        %parallel_loop3A_276 = arith.constant 4 : i32
        %parallel_loop3A_277 = arith.index_cast %parallel_loop3A_275 : i32 to index
        %parallel_loop3A_278 = arith.index_cast %parallel_loop3A_276 : i32 to index
        %parallel_loop3A_279 = arith.index_cast %parallel_loop3A_237 : i32 to index
        %parallel_loop3A_280 = arith.constant 0 : index
        %parallel_loop3A_281 = tpu.vector_load %arg6[%parallel_loop3A_277, %parallel_loop3A_278, %parallel_loop3A_279, %parallel_loop3A_280] {strides = array<i32>} : memref<2x12x128x16xf32, #tpu.memory_space<vmem>>, vector<16xf32>,
        tpu.vector_store_idx %arg11[%parallel_loop3A_246], %parallel_loop3A_281 {add = true} : memref<4096xf32, #tpu.memory_space<vmem>>[vector<16xi32>], vector<16xf32>,
        %parallel_loop3A_282 = arith.constant 0 : i32
        %parallel_loop3A_283 = arith.constant 5 : i32
        %parallel_loop3A_284 = arith.index_cast %parallel_loop3A_282 : i32 to index
        %parallel_loop3A_285 = arith.index_cast %parallel_loop3A_283 : i32 to index
        %parallel_loop3A_286 = arith.index_cast %parallel_loop3A_237 : i32 to index
        %parallel_loop3A_287 = arith.constant 0 : index
        %parallel_loop3A_288 = tpu.vector_load %arg6[%parallel_loop3A_284, %parallel_loop3A_285, %parallel_loop3A_286, %parallel_loop3A_287] {strides = array<i32>} : memref<2x12x128x16xf32, #tpu.memory_space<vmem>>, vector<16xf32>,
        tpu.vector_store_idx %arg12[%parallel_loop3A_246], %parallel_loop3A_288 {add = true} : memref<4096xf32, #tpu.memory_space<vmem>>[vector<16xi32>], vector<16xf32>,
        %parallel_loop3A_289 = arith.constant 0 : i32
        %parallel_loop3A_290 = arith.constant 6 : i32
        %parallel_loop3A_291 = arith.index_cast %parallel_loop3A_289 : i32 to index
        %parallel_loop3A_292 = arith.index_cast %parallel_loop3A_290 : i32 to index
        %parallel_loop3A_293 = arith.index_cast %parallel_loop3A_237 : i32 to index
        %parallel_loop3A_294 = arith.constant 0 : index
        %parallel_loop3A_295 = tpu.vector_load %arg6[%parallel_loop3A_291, %parallel_loop3A_292, %parallel_loop3A_293, %parallel_loop3A_294] {strides = array<i32>} : memref<2x12x128x16xf32, #tpu.memory_space<vmem>>, vector<16xf32>,
        tpu.vector_store_idx %arg13[%parallel_loop3A_246], %parallel_loop3A_295 {add = true} : memref<4096xf32, #tpu.memory_space<vmem>>[vector<16xi32>], vector<16xf32>,
        %parallel_loop3A_296 = arith.constant 0 : i32
        %parallel_loop3A_297 = arith.constant 7 : i32
        %parallel_loop3A_298 = arith.index_cast %parallel_loop3A_296 : i32 to index
        %parallel_loop3A_299 = arith.index_cast %parallel_loop3A_297 : i32 to index
        %parallel_loop3A_300 = arith.index_cast %parallel_loop3A_237 : i32 to index
        %parallel_loop3A_301 = arith.constant 0 : index
        %parallel_loop3A_302 = tpu.vector_load %arg6[%parallel_loop3A_298, %parallel_loop3A_299, %parallel_loop3A_300, %parallel_loop3A_301] {strides = array<i32>} : memref<2x12x128x16xf32, #tpu.memory_space<vmem>>, vector<16xf32>,
        tpu.vector_store_idx %arg14[%parallel_loop3A_246], %parallel_loop3A_302 {add = true} : memref<4096xf32, #tpu.memory_space<vmem>>[vector<16xi32>], vector<16xf32>,
        %parallel_loop3A_303 = arith.constant 0 : i32
        %parallel_loop3A_304 = arith.constant 8 : i32
        %parallel_loop3A_305 = arith.index_cast %parallel_loop3A_303 : i32 to index
        %parallel_loop3A_306 = arith.index_cast %parallel_loop3A_304 : i32 to index
        %parallel_loop3A_307 = arith.index_cast %parallel_loop3A_237 : i32 to index
        %parallel_loop3A_308 = arith.constant 0 : index
        %parallel_loop3A_309 = tpu.vector_load %arg6[%parallel_loop3A_305, %parallel_loop3A_306, %parallel_loop3A_307, %parallel_loop3A_308] {strides = array<i32>} : memref<2x12x128x16xf32, #tpu.memory_space<vmem>>, vector<16xf32>,
        tpu.vector_store_idx %arg15[%parallel_loop3A_246], %parallel_loop3A_309 {add = true} : memref<4096xf32, #tpu.memory_space<vmem>>[vector<16xi32>], vector<16xf32>,
        %parallel_loop3A_310 = arith.constant 0 : i32
        %parallel_loop3A_311 = arith.constant 9 : i32
        %parallel_loop3A_312 = arith.index_cast %parallel_loop3A_310 : i32 to index
        %parallel_loop3A_313 = arith.index_cast %parallel_loop3A_311 : i32 to index
        %parallel_loop3A_314 = arith.index_cast %parallel_loop3A_237 : i32 to index
        %parallel_loop3A_315 = arith.constant 0 : index
        %parallel_loop3A_316 = tpu.vector_load %arg6[%parallel_loop3A_312, %parallel_loop3A_313, %parallel_loop3A_314, %parallel_loop3A_315] {strides = array<i32>} : memref<2x12x128x16xf32, #tpu.memory_space<vmem>>, vector<16xf32>,
        tpu.vector_store_idx %arg16[%parallel_loop3A_246], %parallel_loop3A_316 {add = true} : memref<4096xf32, #tpu.memory_space<vmem>>[vector<16xi32>], vector<16xf32>,
        %parallel_loop3A_317 = arith.constant 0 : i32
        %parallel_loop3A_318 = arith.constant 10 : i32
        %parallel_loop3A_319 = arith.index_cast %parallel_loop3A_317 : i32 to index
        %parallel_loop3A_320 = arith.index_cast %parallel_loop3A_318 : i32 to index
        %parallel_loop3A_321 = arith.index_cast %parallel_loop3A_237 : i32 to index
        %parallel_loop3A_322 = arith.constant 0 : index
        %parallel_loop3A_323 = tpu.vector_load %arg6[%parallel_loop3A_319, %parallel_loop3A_320, %parallel_loop3A_321, %parallel_loop3A_322] {strides = array<i32>} : memref<2x12x128x16xf32, #tpu.memory_space<vmem>>, vector<16xf32>,
        tpu.vector_store_idx %arg17[%parallel_loop3A_246], %parallel_loop3A_323 {add = true} : memref<4096xf32, #tpu.memory_space<vmem>>[vector<16xi32>], vector<16xf32>,
        %parallel_loop3A_324 = arith.constant 0 : i32
        %parallel_loop3A_325 = arith.constant 11 : i32
        %parallel_loop3A_326 = arith.index_cast %parallel_loop3A_324 : i32 to index
        %parallel_loop3A_327 = arith.index_cast %parallel_loop3A_325 : i32 to index
        %parallel_loop3A_328 = arith.index_cast %parallel_loop3A_237 : i32 to index
        %parallel_loop3A_329 = arith.constant 0 : index
        %parallel_loop3A_330 = tpu.vector_load %arg6[%parallel_loop3A_326, %parallel_loop3A_327, %parallel_loop3A_328, %parallel_loop3A_329] {strides = array<i32>} : memref<2x12x128x16xf32, #tpu.memory_space<vmem>>, vector<16xf32>,
        tpu.vector_store_idx %arg18[%parallel_loop3A_246], %parallel_loop3A_330 {add = true} : memref<4096xf32, #tpu.memory_space<vmem>>[vector<16xi32>], vector<16xf32>,
      } {sc.loop_unroll_factor = 2 : i64, sc.parallel_access}
      %mul3A_189 = arith.constant 2 : i32
      %mul3A_190 = arith.muli %add3A_143, %mul3A_189 : i32
      %add3A_191 = arith.constant 1 : i32
      %add3A_192 = arith.addi %mul3A_190, %add3A_191 : i32
      %dma_wait3A_193 = arith.constant 1 : i32
      %dma_wait3A_194 = arith.constant 0 : i32
      %dma_wait3A_195 = arith.constant 0 : i32
      %dma_wait3A_196 = tpu.memref_slice %arg5[%dma_wait3A_193, %dma_wait3A_194, %dma_wait3A_195] : memref<2x128x16xi32, #tpu.memory_space<vmem>> -> memref<1x128x16xi32, #tpu.memory_space<vmem>>
      %dma_wait3A_197 = tpu.memref_squeeze %dma_wait3A_196 : memref<1x128x16xi32, #tpu.memory_space<vmem>> -> memref<128x16xi32, #tpu.memory_space<vmem>>
      %dma_wait3A_198 = arith.constant 0 : i32
      %dma_wait3A_199 = arith.constant 0 : i32
      %dma_wait3A_200 = tpu.memref_slice %arg3[%select_n3A, %dma_wait3A_198, %dma_wait3A_199] : memref<4x9216x16xi32, #tpu.memory_space<hbm>> -> memref<1x128x16xi32, #tpu.memory_space<hbm>>
      %dma_wait3A_201 = tpu.memref_squeeze %dma_wait3A_200 : memref<1x128x16xi32, #tpu.memory_space<hbm>> -> memref<128x16xi32, #tpu.memory_space<hbm>>
      %dma_wait3A_202 = arith.constant 0 : i32
      %dma_wait3A_203 = arith.constant 0 : i32
      %dma_wait3A_204 = tpu.memref_slice %arg5[%dma_wait3A_193, %dma_wait3A_202, %dma_wait3A_203] : memref<2x128x16xi32, #tpu.memory_space<vmem>> -> memref<1x128x16xi32, #tpu.memory_space<vmem>>
      %dma_wait3A_205 = tpu.memref_squeeze %dma_wait3A_204 : memref<1x128x16xi32, #tpu.memory_space<vmem>> -> memref<128x16xi32, #tpu.memory_space<vmem>>
      %dma_wait3A_206 = arith.constant 0 : i32
      %dma_wait3A_207 = arith.constant 0 : i32
      %dma_wait3A_208 = tpu.memref_slice %arg3[%select_n3A, %dma_wait3A_206, %dma_wait3A_207] : memref<4x9216x16xi32, #tpu.memory_space<hbm>> -> memref<1x128x16xi32, #tpu.memory_space<hbm>>
      %dma_wait3A_209 = tpu.memref_squeeze %dma_wait3A_208 : memref<1x128x16xi32, #tpu.memory_space<hbm>> -> memref<128x16xi32, #tpu.memory_space<hbm>>
      tpu.wait_dma2 semaphore(%arg21 : memref<!tpu.dma_semaphore, #tpu.memory_space<semaphore_mem>>) src(%dma_wait3A_209 : memref<128x16xi32, #tpu.memory_space<hbm>>) dst(%dma_wait3A_205 : memref<128x16xi32, #tpu.memory_space<vmem>>)
      %dma_wait3A_210 = arith.constant 1 : i32
      %dma_wait3A_211 = arith.constant 0 : i32
      %dma_wait3A_212 = arith.constant 0 : i32
      %dma_wait3A_213 = arith.constant 0 : i32
      %dma_wait3A_214 = tpu.memref_slice %arg6[%dma_wait3A_210, %dma_wait3A_211, %dma_wait3A_212, %dma_wait3A_213] : memref<2x12x128x16xf32, #tpu.memory_space<vmem>> -> memref<1x12x128x16xf32, #tpu.memory_space<vmem>>
      %dma_wait3A_215 = tpu.memref_squeeze %dma_wait3A_214 : memref<1x12x128x16xf32, #tpu.memory_space<vmem>> -> memref<12x128x16xf32, #tpu.memory_space<vmem>>
      %dma_wait3A_216 = arith.constant 0 : i32
      %dma_wait3A_217 = arith.constant 0 : i32
      %dma_wait3A_218 = tpu.memref_slice %arg2[%add3A_35, %dma_wait3A_216, %dma_wait3A_217] : memref<384x9216x16xf32, #tpu.memory_space<hbm>> -> memref<12x128x16xf32, #tpu.memory_space<hbm>>
      %dma_wait3A_219 = arith.constant 0 : i32
      %dma_wait3A_220 = arith.constant 0 : i32
      %dma_wait3A_221 = arith.constant 0 : i32
      %dma_wait3A_222 = tpu.memref_slice %arg6[%dma_wait3A_210, %dma_wait3A_219, %dma_wait3A_220, %dma_wait3A_221] : memref<2x12x128x16xf32, #tpu.memory_space<vmem>> -> memref<1x12x128x16xf32, #tpu.memory_space<vmem>>
      %dma_wait3A_223 = tpu.memref_squeeze %dma_wait3A_222 : memref<1x12x128x16xf32, #tpu.memory_space<vmem>> -> memref<12x128x16xf32, #tpu.memory_space<vmem>>
      %dma_wait3A_224 = arith.constant 0 : i32
      %dma_wait3A_225 = arith.constant 0 : i32
      %dma_wait3A_226 = tpu.memref_slice %arg2[%add3A_35, %dma_wait3A_224, %dma_wait3A_225] : memref<384x9216x16xf32, #tpu.memory_space<hbm>> -> memref<12x128x16xf32, #tpu.memory_space<hbm>>
      tpu.wait_dma2 semaphore(%arg21 : memref<!tpu.dma_semaphore, #tpu.memory_space<semaphore_mem>>) src(%dma_wait3A_226 : memref<12x128x16xf32, #tpu.memory_space<hbm>>) dst(%dma_wait3A_223 : memref<12x128x16xf32, #tpu.memory_space<vmem>>)
      %add3A_227 = arith.constant 1 : i32
      %add3A_228 = arith.addi %add3A_192, %add3A_227 : i32
      %lt3A_229 = arith.constant 72 : i32
      %lt3A_230 = arith.cmpi slt, %add3A_228, %lt3A_229 : i32
      %convert_element_type3A_231 = arith.extui %lt3A_230 : i1 to i32
      %cond3A_232 = arith.constant 0 : i32
      %cond3A_233 = arith.cmpi ne, %convert_element_type3A_231, %cond3A_232 : i32
      scf.if %cond3A_233 {
        %add3A_237 = arith.constant 1 : i32
        %add3A_238 = arith.addi %add3A_192, %add3A_237 : i32
        %mul3A_239 = arith.constant 9 : i32
        %mul3A_240 = arith.muli %select_n3A_30, %mul3A_239 : i32
        %add3A_241 = arith.addi %add3A_238, %mul3A_240 : i32
        %rem3A_242 = arith.constant 72 : i32
        %rem3A_243 = arith.remsi %add3A_241, %rem3A_242 : i32
        %mul3A_244 = arith.constant 128 : i32
        %mul3A_245 = arith.muli %rem3A_243, %mul3A_244 : i32
        %dma_start3A_246 = arith.constant 0 : i32
        %dma_start3A_247 = arith.constant 0 : i32
        %dma_start3A_248 = arith.constant 0 : i32
        %dma_start3A_249 = tpu.memref_slice %arg5[%dma_start3A_246, %dma_start3A_247, %dma_start3A_248] : memref<2x128x16xi32, #tpu.memory_space<vmem>> -> memref<1x128x16xi32, #tpu.memory_space<vmem>>
        %dma_start3A_250 = tpu.memref_squeeze %dma_start3A_249 : memref<1x128x16xi32, #tpu.memory_space<vmem>> -> memref<128x16xi32, #tpu.memory_space<vmem>>
        %dma_start3A_251 = arith.constant 0 : i32
        %dma_start3A_252 = tpu.memref_slice %arg3[%select_n3A, %mul3A_245, %dma_start3A_251] : memref<4x9216x16xi32, #tpu.memory_space<hbm>> -> memref<1x128x16xi32, #tpu.memory_space<hbm>>
        %dma_start3A_253 = tpu.memref_squeeze %dma_start3A_252 : memref<1x128x16xi32, #tpu.memory_space<hbm>> -> memref<128x16xi32, #tpu.memory_space<hbm>>
        %dma_start3A_254 = arith.constant 0 : i32
        %dma_start3A_255 = arith.constant 0 : i32
        %dma_start3A_256 = tpu.memref_slice %arg5[%dma_start3A_246, %dma_start3A_254, %dma_start3A_255] : memref<2x128x16xi32, #tpu.memory_space<vmem>> -> memref<1x128x16xi32, #tpu.memory_space<vmem>>
        %dma_start3A_257 = tpu.memref_squeeze %dma_start3A_256 : memref<1x128x16xi32, #tpu.memory_space<vmem>> -> memref<128x16xi32, #tpu.memory_space<vmem>>
        %dma_start3A_258 = arith.constant 0 : i32
        %dma_start3A_259 = tpu.memref_slice %arg3[%select_n3A, %mul3A_245, %dma_start3A_258] : memref<4x9216x16xi32, #tpu.memory_space<hbm>> -> memref<1x128x16xi32, #tpu.memory_space<hbm>>
        %dma_start3A_260 = tpu.memref_squeeze %dma_start3A_259 : memref<1x128x16xi32, #tpu.memory_space<hbm>> -> memref<128x16xi32, #tpu.memory_space<hbm>>
        tpu.enqueue_dma source(%dma_start3A_260 : memref<128x16xi32, #tpu.memory_space<hbm>>) target(%dma_start3A_257 : memref<128x16xi32, #tpu.memory_space<vmem>>) target_semaphore(%arg20 : memref<!tpu.dma_semaphore, #tpu.memory_space<semaphore_mem>>)
        %dma_start3A_261 = arith.constant 0 : i32
        %dma_start3A_262 = arith.constant 0 : i32
        %dma_start3A_263 = arith.constant 0 : i32
        %dma_start3A_264 = arith.constant 0 : i32
        %dma_start3A_265 = tpu.memref_slice %arg6[%dma_start3A_261, %dma_start3A_262, %dma_start3A_263, %dma_start3A_264] : memref<2x12x128x16xf32, #tpu.memory_space<vmem>> -> memref<1x12x128x16xf32, #tpu.memory_space<vmem>>
        %dma_start3A_266 = tpu.memref_squeeze %dma_start3A_265 : memref<1x12x128x16xf32, #tpu.memory_space<vmem>> -> memref<12x128x16xf32, #tpu.memory_space<vmem>>
        %dma_start3A_267 = arith.constant 0 : i32
        %dma_start3A_268 = tpu.memref_slice %arg2[%add3A_35, %mul3A_245, %dma_start3A_267] : memref<384x9216x16xf32, #tpu.memory_space<hbm>> -> memref<12x128x16xf32, #tpu.memory_space<hbm>>
        %dma_start3A_269 = arith.constant 0 : i32
        %dma_start3A_270 = arith.constant 0 : i32
        %dma_start3A_271 = arith.constant 0 : i32
        %dma_start3A_272 = tpu.memref_slice %arg6[%dma_start3A_261, %dma_start3A_269, %dma_start3A_270, %dma_start3A_271] : memref<2x12x128x16xf32, #tpu.memory_space<vmem>> -> memref<1x12x128x16xf32, #tpu.memory_space<vmem>>
        %dma_start3A_273 = tpu.memref_squeeze %dma_start3A_272 : memref<1x12x128x16xf32, #tpu.memory_space<vmem>> -> memref<12x128x16xf32, #tpu.memory_space<vmem>>
        %dma_start3A_274 = arith.constant 0 : i32
        %dma_start3A_275 = tpu.memref_slice %arg2[%add3A_35, %mul3A_245, %dma_start3A_274] : memref<384x9216x16xf32, #tpu.memory_space<hbm>> -> memref<12x128x16xf32, #tpu.memory_space<hbm>>
        tpu.enqueue_dma source(%dma_start3A_275 : memref<12x128x16xf32, #tpu.memory_space<hbm>>) target(%dma_start3A_273 : memref<12x128x16xf32, #tpu.memory_space<vmem>>) target_semaphore(%arg20 : memref<!tpu.dma_semaphore, #tpu.memory_space<semaphore_mem>>)
      } else {
      }
      %parallel_loop3A_234 = arith.constant 0 : i32
      %parallel_loop3A_235 = arith.constant 128 : i32
      %parallel_loop3A_236 = arith.constant 1 : i32
      scf.for %parallel_loop3A_237 = %parallel_loop3A_234 to %parallel_loop3A_235 step %parallel_loop3A_236  : i32 {
        %parallel_loop3A_238 = arith.constant 1 : i32
        %parallel_loop3A_239 = arith.index_cast %parallel_loop3A_238 : i32 to index
        %parallel_loop3A_240 = arith.index_cast %parallel_loop3A_237 : i32 to index
        %parallel_loop3A_241 = arith.constant 0 : index
        %parallel_loop3A_242 = tpu.vector_load %arg5[%parallel_loop3A_239, %parallel_loop3A_240, %parallel_loop3A_241] {strides = array<i32>} : memref<2x128x16xi32, #tpu.memory_space<vmem>>, vector<16xi32>,
        %parallel_loop3A_243 = arith.constant 2 : i32
        %parallel_loop3A_244 = vector.broadcast %parallel_loop3A_243 : i32 to vector<16xi32>
        %parallel_loop3A_245 = arith.shli %parallel_loop3A_242, %parallel_loop3A_244 : vector<16xi32>
        %parallel_loop3A_246 = arith.ori %parallel_loop3A_245, %and3A_43 : vector<16xi32>
        tpu.vector_store_idx %arg19[%parallel_loop3A_246], %broadcast_in_dim3A_38 {add = true} : memref<4096xf32, #tpu.memory_space<vmem>>[vector<16xi32>], vector<16xf32>,
        %parallel_loop3A_247 = arith.constant 1 : i32
        %parallel_loop3A_248 = arith.constant 0 : i32
        %parallel_loop3A_249 = arith.index_cast %parallel_loop3A_247 : i32 to index
        %parallel_loop3A_250 = arith.index_cast %parallel_loop3A_248 : i32 to index
        %parallel_loop3A_251 = arith.index_cast %parallel_loop3A_237 : i32 to index
        %parallel_loop3A_252 = arith.constant 0 : index
        %parallel_loop3A_253 = tpu.vector_load %arg6[%parallel_loop3A_249, %parallel_loop3A_250, %parallel_loop3A_251, %parallel_loop3A_252] {strides = array<i32>} : memref<2x12x128x16xf32, #tpu.memory_space<vmem>>, vector<16xf32>,
        tpu.vector_store_idx %arg7[%parallel_loop3A_246], %parallel_loop3A_253 {add = true} : memref<4096xf32, #tpu.memory_space<vmem>>[vector<16xi32>], vector<16xf32>,
        %parallel_loop3A_254 = arith.constant 1 : i32
        %parallel_loop3A_255 = arith.constant 1 : i32
        %parallel_loop3A_256 = arith.index_cast %parallel_loop3A_254 : i32 to index
        %parallel_loop3A_257 = arith.index_cast %parallel_loop3A_255 : i32 to index
        %parallel_loop3A_258 = arith.index_cast %parallel_loop3A_237 : i32 to index
        %parallel_loop3A_259 = arith.constant 0 : index
        %parallel_loop3A_260 = tpu.vector_load %arg6[%parallel_loop3A_256, %parallel_loop3A_257, %parallel_loop3A_258, %parallel_loop3A_259] {strides = array<i32>} : memref<2x12x128x16xf32, #tpu.memory_space<vmem>>, vector<16xf32>,
        tpu.vector_store_idx %arg8[%parallel_loop3A_246], %parallel_loop3A_260 {add = true} : memref<4096xf32, #tpu.memory_space<vmem>>[vector<16xi32>], vector<16xf32>,
        %parallel_loop3A_261 = arith.constant 1 : i32
        %parallel_loop3A_262 = arith.constant 2 : i32
        %parallel_loop3A_263 = arith.index_cast %parallel_loop3A_261 : i32 to index
        %parallel_loop3A_264 = arith.index_cast %parallel_loop3A_262 : i32 to index
        %parallel_loop3A_265 = arith.index_cast %parallel_loop3A_237 : i32 to index
        %parallel_loop3A_266 = arith.constant 0 : index
        %parallel_loop3A_267 = tpu.vector_load %arg6[%parallel_loop3A_263, %parallel_loop3A_264, %parallel_loop3A_265, %parallel_loop3A_266] {strides = array<i32>} : memref<2x12x128x16xf32, #tpu.memory_space<vmem>>, vector<16xf32>,
        tpu.vector_store_idx %arg9[%parallel_loop3A_246], %parallel_loop3A_267 {add = true} : memref<4096xf32, #tpu.memory_space<vmem>>[vector<16xi32>], vector<16xf32>,
        %parallel_loop3A_268 = arith.constant 1 : i32
        %parallel_loop3A_269 = arith.constant 3 : i32
        %parallel_loop3A_270 = arith.index_cast %parallel_loop3A_268 : i32 to index
        %parallel_loop3A_271 = arith.index_cast %parallel_loop3A_269 : i32 to index
        %parallel_loop3A_272 = arith.index_cast %parallel_loop3A_237 : i32 to index
        %parallel_loop3A_273 = arith.constant 0 : index
        %parallel_loop3A_274 = tpu.vector_load %arg6[%parallel_loop3A_270, %parallel_loop3A_271, %parallel_loop3A_272, %parallel_loop3A_273] {strides = array<i32>} : memref<2x12x128x16xf32, #tpu.memory_space<vmem>>, vector<16xf32>,
        tpu.vector_store_idx %arg10[%parallel_loop3A_246], %parallel_loop3A_274 {add = true} : memref<4096xf32, #tpu.memory_space<vmem>>[vector<16xi32>], vector<16xf32>,
        %parallel_loop3A_275 = arith.constant 1 : i32
        %parallel_loop3A_276 = arith.constant 4 : i32
        %parallel_loop3A_277 = arith.index_cast %parallel_loop3A_275 : i32 to index
        %parallel_loop3A_278 = arith.index_cast %parallel_loop3A_276 : i32 to index
        %parallel_loop3A_279 = arith.index_cast %parallel_loop3A_237 : i32 to index
        %parallel_loop3A_280 = arith.constant 0 : index
        %parallel_loop3A_281 = tpu.vector_load %arg6[%parallel_loop3A_277, %parallel_loop3A_278, %parallel_loop3A_279, %parallel_loop3A_280] {strides = array<i32>} : memref<2x12x128x16xf32, #tpu.memory_space<vmem>>, vector<16xf32>,
        tpu.vector_store_idx %arg11[%parallel_loop3A_246], %parallel_loop3A_281 {add = true} : memref<4096xf32, #tpu.memory_space<vmem>>[vector<16xi32>], vector<16xf32>,
        %parallel_loop3A_282 = arith.constant 1 : i32
        %parallel_loop3A_283 = arith.constant 5 : i32
        %parallel_loop3A_284 = arith.index_cast %parallel_loop3A_282 : i32 to index
        %parallel_loop3A_285 = arith.index_cast %parallel_loop3A_283 : i32 to index
        %parallel_loop3A_286 = arith.index_cast %parallel_loop3A_237 : i32 to index
        %parallel_loop3A_287 = arith.constant 0 : index
        %parallel_loop3A_288 = tpu.vector_load %arg6[%parallel_loop3A_284, %parallel_loop3A_285, %parallel_loop3A_286, %parallel_loop3A_287] {strides = array<i32>} : memref<2x12x128x16xf32, #tpu.memory_space<vmem>>, vector<16xf32>,
        tpu.vector_store_idx %arg12[%parallel_loop3A_246], %parallel_loop3A_288 {add = true} : memref<4096xf32, #tpu.memory_space<vmem>>[vector<16xi32>], vector<16xf32>,
        %parallel_loop3A_289 = arith.constant 1 : i32
        %parallel_loop3A_290 = arith.constant 6 : i32
        %parallel_loop3A_291 = arith.index_cast %parallel_loop3A_289 : i32 to index
        %parallel_loop3A_292 = arith.index_cast %parallel_loop3A_290 : i32 to index
        %parallel_loop3A_293 = arith.index_cast %parallel_loop3A_237 : i32 to index
        %parallel_loop3A_294 = arith.constant 0 : index
        %parallel_loop3A_295 = tpu.vector_load %arg6[%parallel_loop3A_291, %parallel_loop3A_292, %parallel_loop3A_293, %parallel_loop3A_294] {strides = array<i32>} : memref<2x12x128x16xf32, #tpu.memory_space<vmem>>, vector<16xf32>,
        tpu.vector_store_idx %arg13[%parallel_loop3A_246], %parallel_loop3A_295 {add = true} : memref<4096xf32, #tpu.memory_space<vmem>>[vector<16xi32>], vector<16xf32>,
        %parallel_loop3A_296 = arith.constant 1 : i32
        %parallel_loop3A_297 = arith.constant 7 : i32
        %parallel_loop3A_298 = arith.index_cast %parallel_loop3A_296 : i32 to index
        %parallel_loop3A_299 = arith.index_cast %parallel_loop3A_297 : i32 to index
        %parallel_loop3A_300 = arith.index_cast %parallel_loop3A_237 : i32 to index
        %parallel_loop3A_301 = arith.constant 0 : index
        %parallel_loop3A_302 = tpu.vector_load %arg6[%parallel_loop3A_298, %parallel_loop3A_299, %parallel_loop3A_300, %parallel_loop3A_301] {strides = array<i32>} : memref<2x12x128x16xf32, #tpu.memory_space<vmem>>, vector<16xf32>,
        tpu.vector_store_idx %arg14[%parallel_loop3A_246], %parallel_loop3A_302 {add = true} : memref<4096xf32, #tpu.memory_space<vmem>>[vector<16xi32>], vector<16xf32>,
        %parallel_loop3A_303 = arith.constant 1 : i32
        %parallel_loop3A_304 = arith.constant 8 : i32
        %parallel_loop3A_305 = arith.index_cast %parallel_loop3A_303 : i32 to index
        %parallel_loop3A_306 = arith.index_cast %parallel_loop3A_304 : i32 to index
        %parallel_loop3A_307 = arith.index_cast %parallel_loop3A_237 : i32 to index
        %parallel_loop3A_308 = arith.constant 0 : index
        %parallel_loop3A_309 = tpu.vector_load %arg6[%parallel_loop3A_305, %parallel_loop3A_306, %parallel_loop3A_307, %parallel_loop3A_308] {strides = array<i32>} : memref<2x12x128x16xf32, #tpu.memory_space<vmem>>, vector<16xf32>,
        tpu.vector_store_idx %arg15[%parallel_loop3A_246], %parallel_loop3A_309 {add = true} : memref<4096xf32, #tpu.memory_space<vmem>>[vector<16xi32>], vector<16xf32>,
        %parallel_loop3A_310 = arith.constant 1 : i32
        %parallel_loop3A_311 = arith.constant 9 : i32
        %parallel_loop3A_312 = arith.index_cast %parallel_loop3A_310 : i32 to index
        %parallel_loop3A_313 = arith.index_cast %parallel_loop3A_311 : i32 to index
        %parallel_loop3A_314 = arith.index_cast %parallel_loop3A_237 : i32 to index
        %parallel_loop3A_315 = arith.constant 0 : index
        %parallel_loop3A_316 = tpu.vector_load %arg6[%parallel_loop3A_312, %parallel_loop3A_313, %parallel_loop3A_314, %parallel_loop3A_315] {strides = array<i32>} : memref<2x12x128x16xf32, #tpu.memory_space<vmem>>, vector<16xf32>,
        tpu.vector_store_idx %arg16[%parallel_loop3A_246], %parallel_loop3A_316 {add = true} : memref<4096xf32, #tpu.memory_space<vmem>>[vector<16xi32>], vector<16xf32>,
        %parallel_loop3A_317 = arith.constant 1 : i32
        %parallel_loop3A_318 = arith.constant 10 : i32
        %parallel_loop3A_319 = arith.index_cast %parallel_loop3A_317 : i32 to index
        %parallel_loop3A_320 = arith.index_cast %parallel_loop3A_318 : i32 to index
        %parallel_loop3A_321 = arith.index_cast %parallel_loop3A_237 : i32 to index
        %parallel_loop3A_322 = arith.constant 0 : index
        %parallel_loop3A_323 = tpu.vector_load %arg6[%parallel_loop3A_319, %parallel_loop3A_320, %parallel_loop3A_321, %parallel_loop3A_322] {strides = array<i32>} : memref<2x12x128x16xf32, #tpu.memory_space<vmem>>, vector<16xf32>,
        tpu.vector_store_idx %arg17[%parallel_loop3A_246], %parallel_loop3A_323 {add = true} : memref<4096xf32, #tpu.memory_space<vmem>>[vector<16xi32>], vector<16xf32>,
        %parallel_loop3A_324 = arith.constant 1 : i32
        %parallel_loop3A_325 = arith.constant 11 : i32
        %parallel_loop3A_326 = arith.index_cast %parallel_loop3A_324 : i32 to index
        %parallel_loop3A_327 = arith.index_cast %parallel_loop3A_325 : i32 to index
        %parallel_loop3A_328 = arith.index_cast %parallel_loop3A_237 : i32 to index
        %parallel_loop3A_329 = arith.constant 0 : index
        %parallel_loop3A_330 = tpu.vector_load %arg6[%parallel_loop3A_326, %parallel_loop3A_327, %parallel_loop3A_328, %parallel_loop3A_329] {strides = array<i32>} : memref<2x12x128x16xf32, #tpu.memory_space<vmem>>, vector<16xf32>,
        tpu.vector_store_idx %arg18[%parallel_loop3A_246], %parallel_loop3A_330 {add = true} : memref<4096xf32, #tpu.memory_space<vmem>>[vector<16xi32>], vector<16xf32>,
      } {sc.loop_unroll_factor = 2 : i64, sc.parallel_access}
    }
    %scan3A_84 = arith.constant 36 : i32
    %iota3A_85 = tpu.iota {dimensions = array<i32: 0>} : vector<16xi32>
    %scan3A_86 = arith.constant 0 : i32
    %scan3A_87 = arith.constant 64 : i32
    %scan3A_88 = arith.addi %scan3A_86, %scan3A_87 : i32
    %scan3A_89 = arith.constant 1 : i32
    scf.for %scan3A_139 = %scan3A_86 to %scan3A_88 step %scan3A_89  : i32 {
      %mul3A_140 = arith.constant 1 : i32
      %mul3A_141 = arith.muli %scan3A_139, %mul3A_140 : i32
      %add3A_142 = arith.constant 0 : i32
      %add3A_143 = arith.addi %add3A_142, %mul3A_141 : i32
      %mul3A_144 = arith.constant 16 : i32
      %mul3A_145 = arith.muli %add3A_143, %mul3A_144 : i32
      %add3A_146 = vector.broadcast %mul3A_145 : i32 to vector<16xi32>
      %add3A_147 = arith.addi %add3A_146, %iota3A_85 : vector<16xi32>
      %shift_left3A = arith.constant 2 : i32
      %shift_left3A_148 = vector.broadcast %shift_left3A : i32 to vector<16xi32>
      %shift_left3A_149 = arith.shli %add3A_147, %shift_left3A_148 : vector<16xi32>
      %gather3A = tpu.vector_load_idx %arg19[%shift_left3A_149] : memref<4096xf32, #tpu.memory_space<vmem>>[vector<16xi32>], vector<16xf32>,
      %add3A_150 = arith.constant 1 : i32
      %add3A_151 = vector.broadcast %add3A_150 : i32 to vector<16xi32>
      %add3A_152 = arith.addi %shift_left3A_149, %add3A_151 : vector<16xi32>
      %gather3A_153 = tpu.vector_load_idx %arg19[%add3A_152] : memref<4096xf32, #tpu.memory_space<vmem>>[vector<16xi32>], vector<16xf32>,
      %add3A_154 = arith.addf %gather3A, %gather3A_153 : vector<16xf32>
      %add3A_155 = arith.constant 2 : i32
      %add3A_156 = vector.broadcast %add3A_155 : i32 to vector<16xi32>
      %add3A_157 = arith.addi %shift_left3A_149, %add3A_156 : vector<16xi32>
      %gather3A_158 = tpu.vector_load_idx %arg19[%add3A_157] : memref<4096xf32, #tpu.memory_space<vmem>>[vector<16xi32>], vector<16xf32>,
      %add3A_159 = arith.addf %add3A_154, %gather3A_158 : vector<16xf32>
      %add3A_160 = arith.constant 3 : i32
      %add3A_161 = vector.broadcast %add3A_160 : i32 to vector<16xi32>
      %add3A_162 = arith.addi %shift_left3A_149, %add3A_161 : vector<16xi32>
      %gather3A_163 = tpu.vector_load_idx %arg19[%add3A_162] : memref<4096xf32, #tpu.memory_space<vmem>>[vector<16xi32>], vector<16xf32>,
      %add3A_164 = arith.addf %add3A_159, %gather3A_163 : vector<16xf32>
      %max3A = arith.constant 1.000000e+00 : f32
      %max3A_165 = vector.broadcast %max3A : f32 to vector<16xf32>
      %max3A_166 = arith.maximumf %add3A_164, %max3A_165 : vector<16xf32>
      %div3A_167 = arith.constant 1.000000e+00 : f32
      %div3A_168 = vector.broadcast %div3A_167 : f32 to vector<16xf32>
      %div3A_169 = arith.divf %div3A_168, %max3A_166 : vector<16xf32>
      %gather3A_170 = tpu.vector_load_idx %arg7[%shift_left3A_149] : memref<4096xf32, #tpu.memory_space<vmem>>[vector<16xi32>], vector<16xf32>,
      %add3A_171 = arith.constant 1 : i32
      %add3A_172 = vector.broadcast %add3A_171 : i32 to vector<16xi32>
      %add3A_173 = arith.addi %shift_left3A_149, %add3A_172 : vector<16xi32>
      %gather3A_174 = tpu.vector_load_idx %arg7[%add3A_173] : memref<4096xf32, #tpu.memory_space<vmem>>[vector<16xi32>], vector<16xf32>,
      %add3A_175 = arith.addf %gather3A_170, %gather3A_174 : vector<16xf32>
      %add3A_176 = arith.constant 2 : i32
      %add3A_177 = vector.broadcast %add3A_176 : i32 to vector<16xi32>
      %add3A_178 = arith.addi %shift_left3A_149, %add3A_177 : vector<16xi32>
      %gather3A_179 = tpu.vector_load_idx %arg7[%add3A_178] : memref<4096xf32, #tpu.memory_space<vmem>>[vector<16xi32>], vector<16xf32>,
      %add3A_180 = arith.addf %add3A_175, %gather3A_179 : vector<16xf32>
      %add3A_181 = arith.constant 3 : i32
      %add3A_182 = vector.broadcast %add3A_181 : i32 to vector<16xi32>
      %add3A_183 = arith.addi %shift_left3A_149, %add3A_182 : vector<16xi32>
      %gather3A_184 = tpu.vector_load_idx %arg7[%add3A_183] : memref<4096xf32, #tpu.memory_space<vmem>>[vector<16xi32>], vector<16xf32>,
      %add3A_185 = arith.addf %add3A_180, %gather3A_184 : vector<16xf32>
      %mul3A_186 = arith.mulf %add3A_185, %div3A_169 : vector<16xf32>
      %swap3A = arith.index_cast %mul3A_145 : i32 to index
      %swap3A_187 = tpu.vector_load %arg7[%swap3A] {strides = array<i32>} : memref<4096xf32, #tpu.memory_space<vmem>>, vector<16xf32>,
      tpu.vector_store %arg7[%swap3A], %mul3A_186 {strides = array<i32>} : memref<4096xf32, #tpu.memory_space<vmem>>, vector<16xf32>,
      %gather3A_188 = tpu.vector_load_idx %arg8[%shift_left3A_149] : memref<4096xf32, #tpu.memory_space<vmem>>[vector<16xi32>], vector<16xf32>,
      %add3A_189 = arith.constant 1 : i32
      %add3A_190 = vector.broadcast %add3A_189 : i32 to vector<16xi32>
      %add3A_191 = arith.addi %shift_left3A_149, %add3A_190 : vector<16xi32>
      %gather3A_192 = tpu.vector_load_idx %arg8[%add3A_191] : memref<4096xf32, #tpu.memory_space<vmem>>[vector<16xi32>], vector<16xf32>,
      %add3A_193 = arith.addf %gather3A_188, %gather3A_192 : vector<16xf32>
      %add3A_194 = arith.constant 2 : i32
      %add3A_195 = vector.broadcast %add3A_194 : i32 to vector<16xi32>
      %add3A_196 = arith.addi %shift_left3A_149, %add3A_195 : vector<16xi32>
      %gather3A_197 = tpu.vector_load_idx %arg8[%add3A_196] : memref<4096xf32, #tpu.memory_space<vmem>>[vector<16xi32>], vector<16xf32>,
      %add3A_198 = arith.addf %add3A_193, %gather3A_197 : vector<16xf32>
      %add3A_199 = arith.constant 3 : i32
      %add3A_200 = vector.broadcast %add3A_199 : i32 to vector<16xi32>
      %add3A_201 = arith.addi %shift_left3A_149, %add3A_200 : vector<16xi32>
      %gather3A_202 = tpu.vector_load_idx %arg8[%add3A_201] : memref<4096xf32, #tpu.memory_space<vmem>>[vector<16xi32>], vector<16xf32>,
      %add3A_203 = arith.addf %add3A_198, %gather3A_202 : vector<16xf32>
      %mul3A_204 = arith.mulf %add3A_203, %div3A_169 : vector<16xf32>
      %swap3A_205 = arith.index_cast %mul3A_145 : i32 to index
      %swap3A_206 = tpu.vector_load %arg8[%swap3A_205] {strides = array<i32>} : memref<4096xf32, #tpu.memory_space<vmem>>, vector<16xf32>,
      tpu.vector_store %arg8[%swap3A_205], %mul3A_204 {strides = array<i32>} : memref<4096xf32, #tpu.memory_space<vmem>>, vector<16xf32>,
      %gather3A_207 = tpu.vector_load_idx %arg9[%shift_left3A_149] : memref<4096xf32, #tpu.memory_space<vmem>>[vector<16xi32>], vector<16xf32>,
      %add3A_208 = arith.constant 1 : i32
      %add3A_209 = vector.broadcast %add3A_208 : i32 to vector<16xi32>
      %add3A_210 = arith.addi %shift_left3A_149, %add3A_209 : vector<16xi32>
      %gather3A_211 = tpu.vector_load_idx %arg9[%add3A_210] : memref<4096xf32, #tpu.memory_space<vmem>>[vector<16xi32>], vector<16xf32>,
      %add3A_212 = arith.addf %gather3A_207, %gather3A_211 : vector<16xf32>
      %add3A_213 = arith.constant 2 : i32
      %add3A_214 = vector.broadcast %add3A_213 : i32 to vector<16xi32>
      %add3A_215 = arith.addi %shift_left3A_149, %add3A_214 : vector<16xi32>
      %gather3A_216 = tpu.vector_load_idx %arg9[%add3A_215] : memref<4096xf32, #tpu.memory_space<vmem>>[vector<16xi32>], vector<16xf32>,
      %add3A_217 = arith.addf %add3A_212, %gather3A_216 : vector<16xf32>
      %add3A_218 = arith.constant 3 : i32
      %add3A_219 = vector.broadcast %add3A_218 : i32 to vector<16xi32>
      %add3A_220 = arith.addi %shift_left3A_149, %add3A_219 : vector<16xi32>
      %gather3A_221 = tpu.vector_load_idx %arg9[%add3A_220] : memref<4096xf32, #tpu.memory_space<vmem>>[vector<16xi32>], vector<16xf32>,
      %add3A_222 = arith.addf %add3A_217, %gather3A_221 : vector<16xf32>
      %mul3A_223 = arith.mulf %add3A_222, %div3A_169 : vector<16xf32>
      %swap3A_224 = arith.index_cast %mul3A_145 : i32 to index
      %swap3A_225 = tpu.vector_load %arg9[%swap3A_224] {strides = array<i32>} : memref<4096xf32, #tpu.memory_space<vmem>>, vector<16xf32>,
      tpu.vector_store %arg9[%swap3A_224], %mul3A_223 {strides = array<i32>} : memref<4096xf32, #tpu.memory_space<vmem>>, vector<16xf32>,
      %gather3A_226 = tpu.vector_load_idx %arg10[%shift_left3A_149] : memref<4096xf32, #tpu.memory_space<vmem>>[vector<16xi32>], vector<16xf32>,
      %add3A_227 = arith.constant 1 : i32
      %add3A_228 = vector.broadcast %add3A_227 : i32 to vector<16xi32>
      %add3A_229 = arith.addi %shift_left3A_149, %add3A_228 : vector<16xi32>
      %gather3A_230 = tpu.vector_load_idx %arg10[%add3A_229] : memref<4096xf32, #tpu.memory_space<vmem>>[vector<16xi32>], vector<16xf32>,
      %add3A_231 = arith.addf %gather3A_226, %gather3A_230 : vector<16xf32>
      %add3A_232 = arith.constant 2 : i32
      %add3A_233 = vector.broadcast %add3A_232 : i32 to vector<16xi32>
      %add3A_234 = arith.addi %shift_left3A_149, %add3A_233 : vector<16xi32>
      %gather3A_235 = tpu.vector_load_idx %arg10[%add3A_234] : memref<4096xf32, #tpu.memory_space<vmem>>[vector<16xi32>], vector<16xf32>,
      %add3A_236 = arith.addf %add3A_231, %gather3A_235 : vector<16xf32>
      %add3A_237 = arith.constant 3 : i32
      %add3A_238 = vector.broadcast %add3A_237 : i32 to vector<16xi32>
      %add3A_239 = arith.addi %shift_left3A_149, %add3A_238 : vector<16xi32>
      %gather3A_240 = tpu.vector_load_idx %arg10[%add3A_239] : memref<4096xf32, #tpu.memory_space<vmem>>[vector<16xi32>], vector<16xf32>,
      %add3A_241 = arith.addf %add3A_236, %gather3A_240 : vector<16xf32>
      %mul3A_242 = arith.mulf %add3A_241, %div3A_169 : vector<16xf32>
      %swap3A_243 = arith.index_cast %mul3A_145 : i32 to index
      %swap3A_244 = tpu.vector_load %arg10[%swap3A_243] {strides = array<i32>} : memref<4096xf32, #tpu.memory_space<vmem>>, vector<16xf32>,
      tpu.vector_store %arg10[%swap3A_243], %mul3A_242 {strides = array<i32>} : memref<4096xf32, #tpu.memory_space<vmem>>, vector<16xf32>,
      %gather3A_245 = tpu.vector_load_idx %arg11[%shift_left3A_149] : memref<4096xf32, #tpu.memory_space<vmem>>[vector<16xi32>], vector<16xf32>,
      %add3A_246 = arith.constant 1 : i32
      %add3A_247 = vector.broadcast %add3A_246 : i32 to vector<16xi32>
      %add3A_248 = arith.addi %shift_left3A_149, %add3A_247 : vector<16xi32>
      %gather3A_249 = tpu.vector_load_idx %arg11[%add3A_248] : memref<4096xf32, #tpu.memory_space<vmem>>[vector<16xi32>], vector<16xf32>,
      %add3A_250 = arith.addf %gather3A_245, %gather3A_249 : vector<16xf32>
      %add3A_251 = arith.constant 2 : i32
      %add3A_252 = vector.broadcast %add3A_251 : i32 to vector<16xi32>
      %add3A_253 = arith.addi %shift_left3A_149, %add3A_252 : vector<16xi32>
      %gather3A_254 = tpu.vector_load_idx %arg11[%add3A_253] : memref<4096xf32, #tpu.memory_space<vmem>>[vector<16xi32>], vector<16xf32>,
      %add3A_255 = arith.addf %add3A_250, %gather3A_254 : vector<16xf32>
      %add3A_256 = arith.constant 3 : i32
      %add3A_257 = vector.broadcast %add3A_256 : i32 to vector<16xi32>
      %add3A_258 = arith.addi %shift_left3A_149, %add3A_257 : vector<16xi32>
      %gather3A_259 = tpu.vector_load_idx %arg11[%add3A_258] : memref<4096xf32, #tpu.memory_space<vmem>>[vector<16xi32>], vector<16xf32>,
      %add3A_260 = arith.addf %add3A_255, %gather3A_259 : vector<16xf32>
      %mul3A_261 = arith.mulf %add3A_260, %div3A_169 : vector<16xf32>
      %swap3A_262 = arith.index_cast %mul3A_145 : i32 to index
      %swap3A_263 = tpu.vector_load %arg11[%swap3A_262] {strides = array<i32>} : memref<4096xf32, #tpu.memory_space<vmem>>, vector<16xf32>,
      tpu.vector_store %arg11[%swap3A_262], %mul3A_261 {strides = array<i32>} : memref<4096xf32, #tpu.memory_space<vmem>>, vector<16xf32>,
      %gather3A_264 = tpu.vector_load_idx %arg12[%shift_left3A_149] : memref<4096xf32, #tpu.memory_space<vmem>>[vector<16xi32>], vector<16xf32>,
      %add3A_265 = arith.constant 1 : i32
      %add3A_266 = vector.broadcast %add3A_265 : i32 to vector<16xi32>
      %add3A_267 = arith.addi %shift_left3A_149, %add3A_266 : vector<16xi32>
      %gather3A_268 = tpu.vector_load_idx %arg12[%add3A_267] : memref<4096xf32, #tpu.memory_space<vmem>>[vector<16xi32>], vector<16xf32>,
      %add3A_269 = arith.addf %gather3A_264, %gather3A_268 : vector<16xf32>
      %add3A_270 = arith.constant 2 : i32
      %add3A_271 = vector.broadcast %add3A_270 : i32 to vector<16xi32>
      %add3A_272 = arith.addi %shift_left3A_149, %add3A_271 : vector<16xi32>
      %gather3A_273 = tpu.vector_load_idx %arg12[%add3A_272] : memref<4096xf32, #tpu.memory_space<vmem>>[vector<16xi32>], vector<16xf32>,
      %add3A_274 = arith.addf %add3A_269, %gather3A_273 : vector<16xf32>
      %add3A_275 = arith.constant 3 : i32
      %add3A_276 = vector.broadcast %add3A_275 : i32 to vector<16xi32>
      %add3A_277 = arith.addi %shift_left3A_149, %add3A_276 : vector<16xi32>
      %gather3A_278 = tpu.vector_load_idx %arg12[%add3A_277] : memref<4096xf32, #tpu.memory_space<vmem>>[vector<16xi32>], vector<16xf32>,
      %add3A_279 = arith.addf %add3A_274, %gather3A_278 : vector<16xf32>
      %mul3A_280 = arith.mulf %add3A_279, %div3A_169 : vector<16xf32>
      %swap3A_281 = arith.index_cast %mul3A_145 : i32 to index
      %swap3A_282 = tpu.vector_load %arg12[%swap3A_281] {strides = array<i32>} : memref<4096xf32, #tpu.memory_space<vmem>>, vector<16xf32>,
      tpu.vector_store %arg12[%swap3A_281], %mul3A_280 {strides = array<i32>} : memref<4096xf32, #tpu.memory_space<vmem>>, vector<16xf32>,
      %gather3A_283 = tpu.vector_load_idx %arg13[%shift_left3A_149] : memref<4096xf32, #tpu.memory_space<vmem>>[vector<16xi32>], vector<16xf32>,
      %add3A_284 = arith.constant 1 : i32
      %add3A_285 = vector.broadcast %add3A_284 : i32 to vector<16xi32>
      %add3A_286 = arith.addi %shift_left3A_149, %add3A_285 : vector<16xi32>
      %gather3A_287 = tpu.vector_load_idx %arg13[%add3A_286] : memref<4096xf32, #tpu.memory_space<vmem>>[vector<16xi32>], vector<16xf32>,
      %add3A_288 = arith.addf %gather3A_283, %gather3A_287 : vector<16xf32>
      %add3A_289 = arith.constant 2 : i32
      %add3A_290 = vector.broadcast %add3A_289 : i32 to vector<16xi32>
      %add3A_291 = arith.addi %shift_left3A_149, %add3A_290 : vector<16xi32>
      %gather3A_292 = tpu.vector_load_idx %arg13[%add3A_291] : memref<4096xf32, #tpu.memory_space<vmem>>[vector<16xi32>], vector<16xf32>,
      %add3A_293 = arith.addf %add3A_288, %gather3A_292 : vector<16xf32>
      %add3A_294 = arith.constant 3 : i32
      %add3A_295 = vector.broadcast %add3A_294 : i32 to vector<16xi32>
      %add3A_296 = arith.addi %shift_left3A_149, %add3A_295 : vector<16xi32>
      %gather3A_297 = tpu.vector_load_idx %arg13[%add3A_296] : memref<4096xf32, #tpu.memory_space<vmem>>[vector<16xi32>], vector<16xf32>,
      %add3A_298 = arith.addf %add3A_293, %gather3A_297 : vector<16xf32>
      %mul3A_299 = arith.mulf %add3A_298, %div3A_169 : vector<16xf32>
      %swap3A_300 = arith.index_cast %mul3A_145 : i32 to index
      %swap3A_301 = tpu.vector_load %arg13[%swap3A_300] {strides = array<i32>} : memref<4096xf32, #tpu.memory_space<vmem>>, vector<16xf32>,
      tpu.vector_store %arg13[%swap3A_300], %mul3A_299 {strides = array<i32>} : memref<4096xf32, #tpu.memory_space<vmem>>, vector<16xf32>,
      %gather3A_302 = tpu.vector_load_idx %arg14[%shift_left3A_149] : memref<4096xf32, #tpu.memory_space<vmem>>[vector<16xi32>], vector<16xf32>,
      %add3A_303 = arith.constant 1 : i32
      %add3A_304 = vector.broadcast %add3A_303 : i32 to vector<16xi32>
      %add3A_305 = arith.addi %shift_left3A_149, %add3A_304 : vector<16xi32>
      %gather3A_306 = tpu.vector_load_idx %arg14[%add3A_305] : memref<4096xf32, #tpu.memory_space<vmem>>[vector<16xi32>], vector<16xf32>,
      %add3A_307 = arith.addf %gather3A_302, %gather3A_306 : vector<16xf32>
      %add3A_308 = arith.constant 2 : i32
      %add3A_309 = vector.broadcast %add3A_308 : i32 to vector<16xi32>
      %add3A_310 = arith.addi %shift_left3A_149, %add3A_309 : vector<16xi32>
      %gather3A_311 = tpu.vector_load_idx %arg14[%add3A_310] : memref<4096xf32, #tpu.memory_space<vmem>>[vector<16xi32>], vector<16xf32>,
      %add3A_312 = arith.addf %add3A_307, %gather3A_311 : vector<16xf32>
      %add3A_313 = arith.constant 3 : i32
      %add3A_314 = vector.broadcast %add3A_313 : i32 to vector<16xi32>
      %add3A_315 = arith.addi %shift_left3A_149, %add3A_314 : vector<16xi32>
      %gather3A_316 = tpu.vector_load_idx %arg14[%add3A_315] : memref<4096xf32, #tpu.memory_space<vmem>>[vector<16xi32>], vector<16xf32>,
      %add3A_317 = arith.addf %add3A_312, %gather3A_316 : vector<16xf32>
      %mul3A_318 = arith.mulf %add3A_317, %div3A_169 : vector<16xf32>
      %swap3A_319 = arith.index_cast %mul3A_145 : i32 to index
      %swap3A_320 = tpu.vector_load %arg14[%swap3A_319] {strides = array<i32>} : memref<4096xf32, #tpu.memory_space<vmem>>, vector<16xf32>,
      tpu.vector_store %arg14[%swap3A_319], %mul3A_318 {strides = array<i32>} : memref<4096xf32, #tpu.memory_space<vmem>>, vector<16xf32>,
      %gather3A_321 = tpu.vector_load_idx %arg15[%shift_left3A_149] : memref<4096xf32, #tpu.memory_space<vmem>>[vector<16xi32>], vector<16xf32>,
      %add3A_322 = arith.constant 1 : i32
      %add3A_323 = vector.broadcast %add3A_322 : i32 to vector<16xi32>
      %add3A_324 = arith.addi %shift_left3A_149, %add3A_323 : vector<16xi32>
      %gather3A_325 = tpu.vector_load_idx %arg15[%add3A_324] : memref<4096xf32, #tpu.memory_space<vmem>>[vector<16xi32>], vector<16xf32>,
      %add3A_326 = arith.addf %gather3A_321, %gather3A_325 : vector<16xf32>
      %add3A_327 = arith.constant 2 : i32
      %add3A_328 = vector.broadcast %add3A_327 : i32 to vector<16xi32>
      %add3A_329 = arith.addi %shift_left3A_149, %add3A_328 : vector<16xi32>
      %gather3A_330 = tpu.vector_load_idx %arg15[%add3A_329] : memref<4096xf32, #tpu.memory_space<vmem>>[vector<16xi32>], vector<16xf32>,
      %add3A_331 = arith.addf %add3A_326, %gather3A_330 : vector<16xf32>
      %add3A_332 = arith.constant 3 : i32
      %add3A_333 = vector.broadcast %add3A_332 : i32 to vector<16xi32>
      %add3A_334 = arith.addi %shift_left3A_149, %add3A_333 : vector<16xi32>
      %gather3A_335 = tpu.vector_load_idx %arg15[%add3A_334] : memref<4096xf32, #tpu.memory_space<vmem>>[vector<16xi32>], vector<16xf32>,
      %add3A_336 = arith.addf %add3A_331, %gather3A_335 : vector<16xf32>
      %mul3A_337 = arith.mulf %add3A_336, %div3A_169 : vector<16xf32>
      %swap3A_338 = arith.index_cast %mul3A_145 : i32 to index
      %swap3A_339 = tpu.vector_load %arg15[%swap3A_338] {strides = array<i32>} : memref<4096xf32, #tpu.memory_space<vmem>>, vector<16xf32>,
      tpu.vector_store %arg15[%swap3A_338], %mul3A_337 {strides = array<i32>} : memref<4096xf32, #tpu.memory_space<vmem>>, vector<16xf32>,
      %gather3A_340 = tpu.vector_load_idx %arg16[%shift_left3A_149] : memref<4096xf32, #tpu.memory_space<vmem>>[vector<16xi32>], vector<16xf32>,
      %add3A_341 = arith.constant 1 : i32
      %add3A_342 = vector.broadcast %add3A_341 : i32 to vector<16xi32>
      %add3A_343 = arith.addi %shift_left3A_149, %add3A_342 : vector<16xi32>
      %gather3A_344 = tpu.vector_load_idx %arg16[%add3A_343] : memref<4096xf32, #tpu.memory_space<vmem>>[vector<16xi32>], vector<16xf32>,
      %add3A_345 = arith.addf %gather3A_340, %gather3A_344 : vector<16xf32>
      %add3A_346 = arith.constant 2 : i32
      %add3A_347 = vector.broadcast %add3A_346 : i32 to vector<16xi32>
      %add3A_348 = arith.addi %shift_left3A_149, %add3A_347 : vector<16xi32>
      %gather3A_349 = tpu.vector_load_idx %arg16[%add3A_348] : memref<4096xf32, #tpu.memory_space<vmem>>[vector<16xi32>], vector<16xf32>,
      %add3A_350 = arith.addf %add3A_345, %gather3A_349 : vector<16xf32>
      %add3A_351 = arith.constant 3 : i32
      %add3A_352 = vector.broadcast %add3A_351 : i32 to vector<16xi32>
      %add3A_353 = arith.addi %shift_left3A_149, %add3A_352 : vector<16xi32>
      %gather3A_354 = tpu.vector_load_idx %arg16[%add3A_353] : memref<4096xf32, #tpu.memory_space<vmem>>[vector<16xi32>], vector<16xf32>,
      %add3A_355 = arith.addf %add3A_350, %gather3A_354 : vector<16xf32>
      %mul3A_356 = arith.mulf %add3A_355, %div3A_169 : vector<16xf32>
      %swap3A_357 = arith.index_cast %mul3A_145 : i32 to index
      %swap3A_358 = tpu.vector_load %arg16[%swap3A_357] {strides = array<i32>} : memref<4096xf32, #tpu.memory_space<vmem>>, vector<16xf32>,
      tpu.vector_store %arg16[%swap3A_357], %mul3A_356 {strides = array<i32>} : memref<4096xf32, #tpu.memory_space<vmem>>, vector<16xf32>,
      %gather3A_359 = tpu.vector_load_idx %arg17[%shift_left3A_149] : memref<4096xf32, #tpu.memory_space<vmem>>[vector<16xi32>], vector<16xf32>,
      %add3A_360 = arith.constant 1 : i32
      %add3A_361 = vector.broadcast %add3A_360 : i32 to vector<16xi32>
      %add3A_362 = arith.addi %shift_left3A_149, %add3A_361 : vector<16xi32>
      %gather3A_363 = tpu.vector_load_idx %arg17[%add3A_362] : memref<4096xf32, #tpu.memory_space<vmem>>[vector<16xi32>], vector<16xf32>,
      %add3A_364 = arith.addf %gather3A_359, %gather3A_363 : vector<16xf32>
      %add3A_365 = arith.constant 2 : i32
      %add3A_366 = vector.broadcast %add3A_365 : i32 to vector<16xi32>
      %add3A_367 = arith.addi %shift_left3A_149, %add3A_366 : vector<16xi32>
      %gather3A_368 = tpu.vector_load_idx %arg17[%add3A_367] : memref<4096xf32, #tpu.memory_space<vmem>>[vector<16xi32>], vector<16xf32>,
      %add3A_369 = arith.addf %add3A_364, %gather3A_368 : vector<16xf32>
      %add3A_370 = arith.constant 3 : i32
      %add3A_371 = vector.broadcast %add3A_370 : i32 to vector<16xi32>
      %add3A_372 = arith.addi %shift_left3A_149, %add3A_371 : vector<16xi32>
      %gather3A_373 = tpu.vector_load_idx %arg17[%add3A_372] : memref<4096xf32, #tpu.memory_space<vmem>>[vector<16xi32>], vector<16xf32>,
      %add3A_374 = arith.addf %add3A_369, %gather3A_373 : vector<16xf32>
      %mul3A_375 = arith.mulf %add3A_374, %div3A_169 : vector<16xf32>
      %swap3A_376 = arith.index_cast %mul3A_145 : i32 to index
      %swap3A_377 = tpu.vector_load %arg17[%swap3A_376] {strides = array<i32>} : memref<4096xf32, #tpu.memory_space<vmem>>, vector<16xf32>,
      tpu.vector_store %arg17[%swap3A_376], %mul3A_375 {strides = array<i32>} : memref<4096xf32, #tpu.memory_space<vmem>>, vector<16xf32>,
      %gather3A_378 = tpu.vector_load_idx %arg18[%shift_left3A_149] : memref<4096xf32, #tpu.memory_space<vmem>>[vector<16xi32>], vector<16xf32>,
      %add3A_379 = arith.constant 1 : i32
      %add3A_380 = vector.broadcast %add3A_379 : i32 to vector<16xi32>
      %add3A_381 = arith.addi %shift_left3A_149, %add3A_380 : vector<16xi32>
      %gather3A_382 = tpu.vector_load_idx %arg18[%add3A_381] : memref<4096xf32, #tpu.memory_space<vmem>>[vector<16xi32>], vector<16xf32>,
      %add3A_383 = arith.addf %gather3A_378, %gather3A_382 : vector<16xf32>
      %add3A_384 = arith.constant 2 : i32
      %add3A_385 = vector.broadcast %add3A_384 : i32 to vector<16xi32>
      %add3A_386 = arith.addi %shift_left3A_149, %add3A_385 : vector<16xi32>
      %gather3A_387 = tpu.vector_load_idx %arg18[%add3A_386] : memref<4096xf32, #tpu.memory_space<vmem>>[vector<16xi32>], vector<16xf32>,
      %add3A_388 = arith.addf %add3A_383, %gather3A_387 : vector<16xf32>
      %add3A_389 = arith.constant 3 : i32
      %add3A_390 = vector.broadcast %add3A_389 : i32 to vector<16xi32>
      %add3A_391 = arith.addi %shift_left3A_149, %add3A_390 : vector<16xi32>
      %gather3A_392 = tpu.vector_load_idx %arg18[%add3A_391] : memref<4096xf32, #tpu.memory_space<vmem>>[vector<16xi32>], vector<16xf32>,
      %add3A_393 = arith.addf %add3A_388, %gather3A_392 : vector<16xf32>
      %mul3A_394 = arith.mulf %add3A_393, %div3A_169 : vector<16xf32>
      %swap3A_395 = arith.index_cast %mul3A_145 : i32 to index
      %swap3A_396 = tpu.vector_load %arg18[%swap3A_395] {strides = array<i32>} : memref<4096xf32, #tpu.memory_space<vmem>>, vector<16xf32>,
      tpu.vector_store %arg18[%swap3A_395], %mul3A_394 {strides = array<i32>} : memref<4096xf32, #tpu.memory_space<vmem>>, vector<16xf32>,
    }
    %scan3A_90 = arith.constant 64 : i32
    %add3A_91 = arith.constant 0 : i32
    %add3A_92 = arith.addi %add3A_35, %add3A_91 : i32
    %mul3A_93 = arith.constant 1024 : i32
    %mul3A_94 = arith.muli %add3A_92, %mul3A_93 : i32
    "tpu.region"() ({
      %run_scoped3A = tpu.sem_alloc : memref<!tpu.dma_semaphore, #tpu.memory_space<semaphore_mem>>
      %dma_start3A_139 = arith.constant 0 : i32
      %dma_start3A_140 = tpu.memref_slice %arg7[%dma_start3A_139] : memref<4096xf32, #tpu.memory_space<vmem>> -> memref<1024xf32, #tpu.memory_space<vmem>>
      %dma_start3A_141 = tpu.memref_slice %arg4[%mul3A_94] : memref<393216xf32, #tpu.memory_space<hbm>> -> memref<1024xf32, #tpu.memory_space<hbm>>
      %dma_start3A_142 = tpu.memref_slice %arg4[%mul3A_94] : memref<393216xf32, #tpu.memory_space<hbm>> -> memref<1024xf32, #tpu.memory_space<hbm>>
      %dma_start3A_143 = arith.constant 0 : i32
      %dma_start3A_144 = tpu.memref_slice %arg7[%dma_start3A_143] : memref<4096xf32, #tpu.memory_space<vmem>> -> memref<1024xf32, #tpu.memory_space<vmem>>
      tpu.enqueue_dma source(%dma_start3A_144 : memref<1024xf32, #tpu.memory_space<vmem>>) target(%dma_start3A_142 : memref<1024xf32, #tpu.memory_space<hbm>>) target_semaphore(%run_scoped3A : memref<!tpu.dma_semaphore, #tpu.memory_space<semaphore_mem>>)
      %dma_wait3A = arith.constant 0 : i32
      %dma_wait3A_145 = tpu.memref_slice %arg7[%dma_wait3A] : memref<4096xf32, #tpu.memory_space<vmem>> -> memref<1024xf32, #tpu.memory_space<vmem>>
      %dma_wait3A_146 = tpu.memref_slice %arg4[%mul3A_94] : memref<393216xf32, #tpu.memory_space<hbm>> -> memref<1024xf32, #tpu.memory_space<hbm>>
      %dma_wait3A_147 = tpu.memref_slice %arg4[%mul3A_94] : memref<393216xf32, #tpu.memory_space<hbm>> -> memref<1024xf32, #tpu.memory_space<hbm>>
      %dma_wait3A_148 = arith.constant 0 : i32
      %dma_wait3A_149 = tpu.memref_slice %arg7[%dma_wait3A_148] : memref<4096xf32, #tpu.memory_space<vmem>> -> memref<1024xf32, #tpu.memory_space<vmem>>
      tpu.wait_dma2 semaphore(%run_scoped3A : memref<!tpu.dma_semaphore, #tpu.memory_space<semaphore_mem>>) src(%dma_wait3A_149 : memref<1024xf32, #tpu.memory_space<vmem>>) dst(%dma_wait3A_147 : memref<1024xf32, #tpu.memory_space<hbm>>)
      tpu.yield
    }) : () -> ()
    %add3A_95 = arith.constant 1 : i32
    %add3A_96 = arith.addi %add3A_35, %add3A_95 : i32
    %mul3A_97 = arith.constant 1024 : i32
    %mul3A_98 = arith.muli %add3A_96, %mul3A_97 : i32
    "tpu.region"() ({
      %run_scoped3A = tpu.sem_alloc : memref<!tpu.dma_semaphore, #tpu.memory_space<semaphore_mem>>
      %dma_start3A_139 = arith.constant 0 : i32
      %dma_start3A_140 = tpu.memref_slice %arg8[%dma_start3A_139] : memref<4096xf32, #tpu.memory_space<vmem>> -> memref<1024xf32, #tpu.memory_space<vmem>>
      %dma_start3A_141 = tpu.memref_slice %arg4[%mul3A_98] : memref<393216xf32, #tpu.memory_space<hbm>> -> memref<1024xf32, #tpu.memory_space<hbm>>
      %dma_start3A_142 = tpu.memref_slice %arg4[%mul3A_98] : memref<393216xf32, #tpu.memory_space<hbm>> -> memref<1024xf32, #tpu.memory_space<hbm>>
      %dma_start3A_143 = arith.constant 0 : i32
      %dma_start3A_144 = tpu.memref_slice %arg8[%dma_start3A_143] : memref<4096xf32, #tpu.memory_space<vmem>> -> memref<1024xf32, #tpu.memory_space<vmem>>
      tpu.enqueue_dma source(%dma_start3A_144 : memref<1024xf32, #tpu.memory_space<vmem>>) target(%dma_start3A_142 : memref<1024xf32, #tpu.memory_space<hbm>>) target_semaphore(%run_scoped3A : memref<!tpu.dma_semaphore, #tpu.memory_space<semaphore_mem>>)
      %dma_wait3A = arith.constant 0 : i32
      %dma_wait3A_145 = tpu.memref_slice %arg8[%dma_wait3A] : memref<4096xf32, #tpu.memory_space<vmem>> -> memref<1024xf32, #tpu.memory_space<vmem>>
      %dma_wait3A_146 = tpu.memref_slice %arg4[%mul3A_98] : memref<393216xf32, #tpu.memory_space<hbm>> -> memref<1024xf32, #tpu.memory_space<hbm>>
      %dma_wait3A_147 = tpu.memref_slice %arg4[%mul3A_98] : memref<393216xf32, #tpu.memory_space<hbm>> -> memref<1024xf32, #tpu.memory_space<hbm>>
      %dma_wait3A_148 = arith.constant 0 : i32
      %dma_wait3A_149 = tpu.memref_slice %arg8[%dma_wait3A_148] : memref<4096xf32, #tpu.memory_space<vmem>> -> memref<1024xf32, #tpu.memory_space<vmem>>
      tpu.wait_dma2 semaphore(%run_scoped3A : memref<!tpu.dma_semaphore, #tpu.memory_space<semaphore_mem>>) src(%dma_wait3A_149 : memref<1024xf32, #tpu.memory_space<vmem>>) dst(%dma_wait3A_147 : memref<1024xf32, #tpu.memory_space<hbm>>)
      tpu.yield
    }) : () -> ()
    %add3A_99 = arith.constant 2 : i32
    %add3A_100 = arith.addi %add3A_35, %add3A_99 : i32
    %mul3A_101 = arith.constant 1024 : i32
    %mul3A_102 = arith.muli %add3A_100, %mul3A_101 : i32
    "tpu.region"() ({
      %run_scoped3A = tpu.sem_alloc : memref<!tpu.dma_semaphore, #tpu.memory_space<semaphore_mem>>
      %dma_start3A_139 = arith.constant 0 : i32
      %dma_start3A_140 = tpu.memref_slice %arg9[%dma_start3A_139] : memref<4096xf32, #tpu.memory_space<vmem>> -> memref<1024xf32, #tpu.memory_space<vmem>>
      %dma_start3A_141 = tpu.memref_slice %arg4[%mul3A_102] : memref<393216xf32, #tpu.memory_space<hbm>> -> memref<1024xf32, #tpu.memory_space<hbm>>
      %dma_start3A_142 = tpu.memref_slice %arg4[%mul3A_102] : memref<393216xf32, #tpu.memory_space<hbm>> -> memref<1024xf32, #tpu.memory_space<hbm>>
      %dma_start3A_143 = arith.constant 0 : i32
      %dma_start3A_144 = tpu.memref_slice %arg9[%dma_start3A_143] : memref<4096xf32, #tpu.memory_space<vmem>> -> memref<1024xf32, #tpu.memory_space<vmem>>
      tpu.enqueue_dma source(%dma_start3A_144 : memref<1024xf32, #tpu.memory_space<vmem>>) target(%dma_start3A_142 : memref<1024xf32, #tpu.memory_space<hbm>>) target_semaphore(%run_scoped3A : memref<!tpu.dma_semaphore, #tpu.memory_space<semaphore_mem>>)
      %dma_wait3A = arith.constant 0 : i32
      %dma_wait3A_145 = tpu.memref_slice %arg9[%dma_wait3A] : memref<4096xf32, #tpu.memory_space<vmem>> -> memref<1024xf32, #tpu.memory_space<vmem>>
      %dma_wait3A_146 = tpu.memref_slice %arg4[%mul3A_102] : memref<393216xf32, #tpu.memory_space<hbm>> -> memref<1024xf32, #tpu.memory_space<hbm>>
      %dma_wait3A_147 = tpu.memref_slice %arg4[%mul3A_102] : memref<393216xf32, #tpu.memory_space<hbm>> -> memref<1024xf32, #tpu.memory_space<hbm>>
      %dma_wait3A_148 = arith.constant 0 : i32
      %dma_wait3A_149 = tpu.memref_slice %arg9[%dma_wait3A_148] : memref<4096xf32, #tpu.memory_space<vmem>> -> memref<1024xf32, #tpu.memory_space<vmem>>
      tpu.wait_dma2 semaphore(%run_scoped3A : memref<!tpu.dma_semaphore, #tpu.memory_space<semaphore_mem>>) src(%dma_wait3A_149 : memref<1024xf32, #tpu.memory_space<vmem>>) dst(%dma_wait3A_147 : memref<1024xf32, #tpu.memory_space<hbm>>)
      tpu.yield
    }) : () -> ()
    %add3A_103 = arith.constant 3 : i32
    %add3A_104 = arith.addi %add3A_35, %add3A_103 : i32
    %mul3A_105 = arith.constant 1024 : i32
    %mul3A_106 = arith.muli %add3A_104, %mul3A_105 : i32
    "tpu.region"() ({
      %run_scoped3A = tpu.sem_alloc : memref<!tpu.dma_semaphore, #tpu.memory_space<semaphore_mem>>
      %dma_start3A_139 = arith.constant 0 : i32
      %dma_start3A_140 = tpu.memref_slice %arg10[%dma_start3A_139] : memref<4096xf32, #tpu.memory_space<vmem>> -> memref<1024xf32, #tpu.memory_space<vmem>>
      %dma_start3A_141 = tpu.memref_slice %arg4[%mul3A_106] : memref<393216xf32, #tpu.memory_space<hbm>> -> memref<1024xf32, #tpu.memory_space<hbm>>
      %dma_start3A_142 = tpu.memref_slice %arg4[%mul3A_106] : memref<393216xf32, #tpu.memory_space<hbm>> -> memref<1024xf32, #tpu.memory_space<hbm>>
      %dma_start3A_143 = arith.constant 0 : i32
      %dma_start3A_144 = tpu.memref_slice %arg10[%dma_start3A_143] : memref<4096xf32, #tpu.memory_space<vmem>> -> memref<1024xf32, #tpu.memory_space<vmem>>
      tpu.enqueue_dma source(%dma_start3A_144 : memref<1024xf32, #tpu.memory_space<vmem>>) target(%dma_start3A_142 : memref<1024xf32, #tpu.memory_space<hbm>>) target_semaphore(%run_scoped3A : memref<!tpu.dma_semaphore, #tpu.memory_space<semaphore_mem>>)
      %dma_wait3A = arith.constant 0 : i32
      %dma_wait3A_145 = tpu.memref_slice %arg10[%dma_wait3A] : memref<4096xf32, #tpu.memory_space<vmem>> -> memref<1024xf32, #tpu.memory_space<vmem>>
      %dma_wait3A_146 = tpu.memref_slice %arg4[%mul3A_106] : memref<393216xf32, #tpu.memory_space<hbm>> -> memref<1024xf32, #tpu.memory_space<hbm>>
      %dma_wait3A_147 = tpu.memref_slice %arg4[%mul3A_106] : memref<393216xf32, #tpu.memory_space<hbm>> -> memref<1024xf32, #tpu.memory_space<hbm>>
      %dma_wait3A_148 = arith.constant 0 : i32
      %dma_wait3A_149 = tpu.memref_slice %arg10[%dma_wait3A_148] : memref<4096xf32, #tpu.memory_space<vmem>> -> memref<1024xf32, #tpu.memory_space<vmem>>
      tpu.wait_dma2 semaphore(%run_scoped3A : memref<!tpu.dma_semaphore, #tpu.memory_space<semaphore_mem>>) src(%dma_wait3A_149 : memref<1024xf32, #tpu.memory_space<vmem>>) dst(%dma_wait3A_147 : memref<1024xf32, #tpu.memory_space<hbm>>)
      tpu.yield
    }) : () -> ()
    %add3A_107 = arith.constant 4 : i32
    %add3A_108 = arith.addi %add3A_35, %add3A_107 : i32
    %mul3A_109 = arith.constant 1024 : i32
    %mul3A_110 = arith.muli %add3A_108, %mul3A_109 : i32
    "tpu.region"() ({
      %run_scoped3A = tpu.sem_alloc : memref<!tpu.dma_semaphore, #tpu.memory_space<semaphore_mem>>
      %dma_start3A_139 = arith.constant 0 : i32
      %dma_start3A_140 = tpu.memref_slice %arg11[%dma_start3A_139] : memref<4096xf32, #tpu.memory_space<vmem>> -> memref<1024xf32, #tpu.memory_space<vmem>>
      %dma_start3A_141 = tpu.memref_slice %arg4[%mul3A_110] : memref<393216xf32, #tpu.memory_space<hbm>> -> memref<1024xf32, #tpu.memory_space<hbm>>
      %dma_start3A_142 = tpu.memref_slice %arg4[%mul3A_110] : memref<393216xf32, #tpu.memory_space<hbm>> -> memref<1024xf32, #tpu.memory_space<hbm>>
      %dma_start3A_143 = arith.constant 0 : i32
      %dma_start3A_144 = tpu.memref_slice %arg11[%dma_start3A_143] : memref<4096xf32, #tpu.memory_space<vmem>> -> memref<1024xf32, #tpu.memory_space<vmem>>
      tpu.enqueue_dma source(%dma_start3A_144 : memref<1024xf32, #tpu.memory_space<vmem>>) target(%dma_start3A_142 : memref<1024xf32, #tpu.memory_space<hbm>>) target_semaphore(%run_scoped3A : memref<!tpu.dma_semaphore, #tpu.memory_space<semaphore_mem>>)
      %dma_wait3A = arith.constant 0 : i32
      %dma_wait3A_145 = tpu.memref_slice %arg11[%dma_wait3A] : memref<4096xf32, #tpu.memory_space<vmem>> -> memref<1024xf32, #tpu.memory_space<vmem>>
      %dma_wait3A_146 = tpu.memref_slice %arg4[%mul3A_110] : memref<393216xf32, #tpu.memory_space<hbm>> -> memref<1024xf32, #tpu.memory_space<hbm>>
      %dma_wait3A_147 = tpu.memref_slice %arg4[%mul3A_110] : memref<393216xf32, #tpu.memory_space<hbm>> -> memref<1024xf32, #tpu.memory_space<hbm>>
      %dma_wait3A_148 = arith.constant 0 : i32
      %dma_wait3A_149 = tpu.memref_slice %arg11[%dma_wait3A_148] : memref<4096xf32, #tpu.memory_space<vmem>> -> memref<1024xf32, #tpu.memory_space<vmem>>
      tpu.wait_dma2 semaphore(%run_scoped3A : memref<!tpu.dma_semaphore, #tpu.memory_space<semaphore_mem>>) src(%dma_wait3A_149 : memref<1024xf32, #tpu.memory_space<vmem>>) dst(%dma_wait3A_147 : memref<1024xf32, #tpu.memory_space<hbm>>)
      tpu.yield
    }) : () -> ()
    %add3A_111 = arith.constant 5 : i32
    %add3A_112 = arith.addi %add3A_35, %add3A_111 : i32
    %mul3A_113 = arith.constant 1024 : i32
    %mul3A_114 = arith.muli %add3A_112, %mul3A_113 : i32
    "tpu.region"() ({
      %run_scoped3A = tpu.sem_alloc : memref<!tpu.dma_semaphore, #tpu.memory_space<semaphore_mem>>
      %dma_start3A_139 = arith.constant 0 : i32
      %dma_start3A_140 = tpu.memref_slice %arg12[%dma_start3A_139] : memref<4096xf32, #tpu.memory_space<vmem>> -> memref<1024xf32, #tpu.memory_space<vmem>>
      %dma_start3A_141 = tpu.memref_slice %arg4[%mul3A_114] : memref<393216xf32, #tpu.memory_space<hbm>> -> memref<1024xf32, #tpu.memory_space<hbm>>
      %dma_start3A_142 = tpu.memref_slice %arg4[%mul3A_114] : memref<393216xf32, #tpu.memory_space<hbm>> -> memref<1024xf32, #tpu.memory_space<hbm>>
      %dma_start3A_143 = arith.constant 0 : i32
      %dma_start3A_144 = tpu.memref_slice %arg12[%dma_start3A_143] : memref<4096xf32, #tpu.memory_space<vmem>> -> memref<1024xf32, #tpu.memory_space<vmem>>
      tpu.enqueue_dma source(%dma_start3A_144 : memref<1024xf32, #tpu.memory_space<vmem>>) target(%dma_start3A_142 : memref<1024xf32, #tpu.memory_space<hbm>>) target_semaphore(%run_scoped3A : memref<!tpu.dma_semaphore, #tpu.memory_space<semaphore_mem>>)
      %dma_wait3A = arith.constant 0 : i32
      %dma_wait3A_145 = tpu.memref_slice %arg12[%dma_wait3A] : memref<4096xf32, #tpu.memory_space<vmem>> -> memref<1024xf32, #tpu.memory_space<vmem>>
      %dma_wait3A_146 = tpu.memref_slice %arg4[%mul3A_114] : memref<393216xf32, #tpu.memory_space<hbm>> -> memref<1024xf32, #tpu.memory_space<hbm>>
      %dma_wait3A_147 = tpu.memref_slice %arg4[%mul3A_114] : memref<393216xf32, #tpu.memory_space<hbm>> -> memref<1024xf32, #tpu.memory_space<hbm>>
      %dma_wait3A_148 = arith.constant 0 : i32
      %dma_wait3A_149 = tpu.memref_slice %arg12[%dma_wait3A_148] : memref<4096xf32, #tpu.memory_space<vmem>> -> memref<1024xf32, #tpu.memory_space<vmem>>
      tpu.wait_dma2 semaphore(%run_scoped3A : memref<!tpu.dma_semaphore, #tpu.memory_space<semaphore_mem>>) src(%dma_wait3A_149 : memref<1024xf32, #tpu.memory_space<vmem>>) dst(%dma_wait3A_147 : memref<1024xf32, #tpu.memory_space<hbm>>)
      tpu.yield
    }) : () -> ()
    %add3A_115 = arith.constant 6 : i32
    %add3A_116 = arith.addi %add3A_35, %add3A_115 : i32
    %mul3A_117 = arith.constant 1024 : i32
    %mul3A_118 = arith.muli %add3A_116, %mul3A_117 : i32
    "tpu.region"() ({
      %run_scoped3A = tpu.sem_alloc : memref<!tpu.dma_semaphore, #tpu.memory_space<semaphore_mem>>
      %dma_start3A_139 = arith.constant 0 : i32
      %dma_start3A_140 = tpu.memref_slice %arg13[%dma_start3A_139] : memref<4096xf32, #tpu.memory_space<vmem>> -> memref<1024xf32, #tpu.memory_space<vmem>>
      %dma_start3A_141 = tpu.memref_slice %arg4[%mul3A_118] : memref<393216xf32, #tpu.memory_space<hbm>> -> memref<1024xf32, #tpu.memory_space<hbm>>
      %dma_start3A_142 = tpu.memref_slice %arg4[%mul3A_118] : memref<393216xf32, #tpu.memory_space<hbm>> -> memref<1024xf32, #tpu.memory_space<hbm>>
      %dma_start3A_143 = arith.constant 0 : i32
      %dma_start3A_144 = tpu.memref_slice %arg13[%dma_start3A_143] : memref<4096xf32, #tpu.memory_space<vmem>> -> memref<1024xf32, #tpu.memory_space<vmem>>
      tpu.enqueue_dma source(%dma_start3A_144 : memref<1024xf32, #tpu.memory_space<vmem>>) target(%dma_start3A_142 : memref<1024xf32, #tpu.memory_space<hbm>>) target_semaphore(%run_scoped3A : memref<!tpu.dma_semaphore, #tpu.memory_space<semaphore_mem>>)
      %dma_wait3A = arith.constant 0 : i32
      %dma_wait3A_145 = tpu.memref_slice %arg13[%dma_wait3A] : memref<4096xf32, #tpu.memory_space<vmem>> -> memref<1024xf32, #tpu.memory_space<vmem>>
      %dma_wait3A_146 = tpu.memref_slice %arg4[%mul3A_118] : memref<393216xf32, #tpu.memory_space<hbm>> -> memref<1024xf32, #tpu.memory_space<hbm>>
      %dma_wait3A_147 = tpu.memref_slice %arg4[%mul3A_118] : memref<393216xf32, #tpu.memory_space<hbm>> -> memref<1024xf32, #tpu.memory_space<hbm>>
      %dma_wait3A_148 = arith.constant 0 : i32
      %dma_wait3A_149 = tpu.memref_slice %arg13[%dma_wait3A_148] : memref<4096xf32, #tpu.memory_space<vmem>> -> memref<1024xf32, #tpu.memory_space<vmem>>
      tpu.wait_dma2 semaphore(%run_scoped3A : memref<!tpu.dma_semaphore, #tpu.memory_space<semaphore_mem>>) src(%dma_wait3A_149 : memref<1024xf32, #tpu.memory_space<vmem>>) dst(%dma_wait3A_147 : memref<1024xf32, #tpu.memory_space<hbm>>)
      tpu.yield
    }) : () -> ()
    %add3A_119 = arith.constant 7 : i32
    %add3A_120 = arith.addi %add3A_35, %add3A_119 : i32
    %mul3A_121 = arith.constant 1024 : i32
    %mul3A_122 = arith.muli %add3A_120, %mul3A_121 : i32
    "tpu.region"() ({
      %run_scoped3A = tpu.sem_alloc : memref<!tpu.dma_semaphore, #tpu.memory_space<semaphore_mem>>
      %dma_start3A_139 = arith.constant 0 : i32
      %dma_start3A_140 = tpu.memref_slice %arg14[%dma_start3A_139] : memref<4096xf32, #tpu.memory_space<vmem>> -> memref<1024xf32, #tpu.memory_space<vmem>>
      %dma_start3A_141 = tpu.memref_slice %arg4[%mul3A_122] : memref<393216xf32, #tpu.memory_space<hbm>> -> memref<1024xf32, #tpu.memory_space<hbm>>
      %dma_start3A_142 = tpu.memref_slice %arg4[%mul3A_122] : memref<393216xf32, #tpu.memory_space<hbm>> -> memref<1024xf32, #tpu.memory_space<hbm>>
      %dma_start3A_143 = arith.constant 0 : i32
      %dma_start3A_144 = tpu.memref_slice %arg14[%dma_start3A_143] : memref<4096xf32, #tpu.memory_space<vmem>> -> memref<1024xf32, #tpu.memory_space<vmem>>
      tpu.enqueue_dma source(%dma_start3A_144 : memref<1024xf32, #tpu.memory_space<vmem>>) target(%dma_start3A_142 : memref<1024xf32, #tpu.memory_space<hbm>>) target_semaphore(%run_scoped3A : memref<!tpu.dma_semaphore, #tpu.memory_space<semaphore_mem>>)
      %dma_wait3A = arith.constant 0 : i32
      %dma_wait3A_145 = tpu.memref_slice %arg14[%dma_wait3A] : memref<4096xf32, #tpu.memory_space<vmem>> -> memref<1024xf32, #tpu.memory_space<vmem>>
      %dma_wait3A_146 = tpu.memref_slice %arg4[%mul3A_122] : memref<393216xf32, #tpu.memory_space<hbm>> -> memref<1024xf32, #tpu.memory_space<hbm>>
      %dma_wait3A_147 = tpu.memref_slice %arg4[%mul3A_122] : memref<393216xf32, #tpu.memory_space<hbm>> -> memref<1024xf32, #tpu.memory_space<hbm>>
      %dma_wait3A_148 = arith.constant 0 : i32
      %dma_wait3A_149 = tpu.memref_slice %arg14[%dma_wait3A_148] : memref<4096xf32, #tpu.memory_space<vmem>> -> memref<1024xf32, #tpu.memory_space<vmem>>
      tpu.wait_dma2 semaphore(%run_scoped3A : memref<!tpu.dma_semaphore, #tpu.memory_space<semaphore_mem>>) src(%dma_wait3A_149 : memref<1024xf32, #tpu.memory_space<vmem>>) dst(%dma_wait3A_147 : memref<1024xf32, #tpu.memory_space<hbm>>)
      tpu.yield
    }) : () -> ()
    %add3A_123 = arith.constant 8 : i32
    %add3A_124 = arith.addi %add3A_35, %add3A_123 : i32
    %mul3A_125 = arith.constant 1024 : i32
    %mul3A_126 = arith.muli %add3A_124, %mul3A_125 : i32
    "tpu.region"() ({
      %run_scoped3A = tpu.sem_alloc : memref<!tpu.dma_semaphore, #tpu.memory_space<semaphore_mem>>
      %dma_start3A_139 = arith.constant 0 : i32
      %dma_start3A_140 = tpu.memref_slice %arg15[%dma_start3A_139] : memref<4096xf32, #tpu.memory_space<vmem>> -> memref<1024xf32, #tpu.memory_space<vmem>>
      %dma_start3A_141 = tpu.memref_slice %arg4[%mul3A_126] : memref<393216xf32, #tpu.memory_space<hbm>> -> memref<1024xf32, #tpu.memory_space<hbm>>
      %dma_start3A_142 = tpu.memref_slice %arg4[%mul3A_126] : memref<393216xf32, #tpu.memory_space<hbm>> -> memref<1024xf32, #tpu.memory_space<hbm>>
      %dma_start3A_143 = arith.constant 0 : i32
      %dma_start3A_144 = tpu.memref_slice %arg15[%dma_start3A_143] : memref<4096xf32, #tpu.memory_space<vmem>> -> memref<1024xf32, #tpu.memory_space<vmem>>
      tpu.enqueue_dma source(%dma_start3A_144 : memref<1024xf32, #tpu.memory_space<vmem>>) target(%dma_start3A_142 : memref<1024xf32, #tpu.memory_space<hbm>>) target_semaphore(%run_scoped3A : memref<!tpu.dma_semaphore, #tpu.memory_space<semaphore_mem>>)
      %dma_wait3A = arith.constant 0 : i32
      %dma_wait3A_145 = tpu.memref_slice %arg15[%dma_wait3A] : memref<4096xf32, #tpu.memory_space<vmem>> -> memref<1024xf32, #tpu.memory_space<vmem>>
      %dma_wait3A_146 = tpu.memref_slice %arg4[%mul3A_126] : memref<393216xf32, #tpu.memory_space<hbm>> -> memref<1024xf32, #tpu.memory_space<hbm>>
      %dma_wait3A_147 = tpu.memref_slice %arg4[%mul3A_126] : memref<393216xf32, #tpu.memory_space<hbm>> -> memref<1024xf32, #tpu.memory_space<hbm>>
      %dma_wait3A_148 = arith.constant 0 : i32
      %dma_wait3A_149 = tpu.memref_slice %arg15[%dma_wait3A_148] : memref<4096xf32, #tpu.memory_space<vmem>> -> memref<1024xf32, #tpu.memory_space<vmem>>
      tpu.wait_dma2 semaphore(%run_scoped3A : memref<!tpu.dma_semaphore, #tpu.memory_space<semaphore_mem>>) src(%dma_wait3A_149 : memref<1024xf32, #tpu.memory_space<vmem>>) dst(%dma_wait3A_147 : memref<1024xf32, #tpu.memory_space<hbm>>)
      tpu.yield
    }) : () -> ()
    %add3A_127 = arith.constant 9 : i32
    %add3A_128 = arith.addi %add3A_35, %add3A_127 : i32
    %mul3A_129 = arith.constant 1024 : i32
    %mul3A_130 = arith.muli %add3A_128, %mul3A_129 : i32
    "tpu.region"() ({
      %run_scoped3A = tpu.sem_alloc : memref<!tpu.dma_semaphore, #tpu.memory_space<semaphore_mem>>
      %dma_start3A_139 = arith.constant 0 : i32
      %dma_start3A_140 = tpu.memref_slice %arg16[%dma_start3A_139] : memref<4096xf32, #tpu.memory_space<vmem>> -> memref<1024xf32, #tpu.memory_space<vmem>>
      %dma_start3A_141 = tpu.memref_slice %arg4[%mul3A_130] : memref<393216xf32, #tpu.memory_space<hbm>> -> memref<1024xf32, #tpu.memory_space<hbm>>
      %dma_start3A_142 = tpu.memref_slice %arg4[%mul3A_130] : memref<393216xf32, #tpu.memory_space<hbm>> -> memref<1024xf32, #tpu.memory_space<hbm>>
      %dma_start3A_143 = arith.constant 0 : i32
      %dma_start3A_144 = tpu.memref_slice %arg16[%dma_start3A_143] : memref<4096xf32, #tpu.memory_space<vmem>> -> memref<1024xf32, #tpu.memory_space<vmem>>
      tpu.enqueue_dma source(%dma_start3A_144 : memref<1024xf32, #tpu.memory_space<vmem>>) target(%dma_start3A_142 : memref<1024xf32, #tpu.memory_space<hbm>>) target_semaphore(%run_scoped3A : memref<!tpu.dma_semaphore, #tpu.memory_space<semaphore_mem>>)
      %dma_wait3A = arith.constant 0 : i32
      %dma_wait3A_145 = tpu.memref_slice %arg16[%dma_wait3A] : memref<4096xf32, #tpu.memory_space<vmem>> -> memref<1024xf32, #tpu.memory_space<vmem>>
      %dma_wait3A_146 = tpu.memref_slice %arg4[%mul3A_130] : memref<393216xf32, #tpu.memory_space<hbm>> -> memref<1024xf32, #tpu.memory_space<hbm>>
      %dma_wait3A_147 = tpu.memref_slice %arg4[%mul3A_130] : memref<393216xf32, #tpu.memory_space<hbm>> -> memref<1024xf32, #tpu.memory_space<hbm>>
      %dma_wait3A_148 = arith.constant 0 : i32
      %dma_wait3A_149 = tpu.memref_slice %arg16[%dma_wait3A_148] : memref<4096xf32, #tpu.memory_space<vmem>> -> memref<1024xf32, #tpu.memory_space<vmem>>
      tpu.wait_dma2 semaphore(%run_scoped3A : memref<!tpu.dma_semaphore, #tpu.memory_space<semaphore_mem>>) src(%dma_wait3A_149 : memref<1024xf32, #tpu.memory_space<vmem>>) dst(%dma_wait3A_147 : memref<1024xf32, #tpu.memory_space<hbm>>)
      tpu.yield
    }) : () -> ()
    %add3A_131 = arith.constant 10 : i32
    %add3A_132 = arith.addi %add3A_35, %add3A_131 : i32
    %mul3A_133 = arith.constant 1024 : i32
    %mul3A_134 = arith.muli %add3A_132, %mul3A_133 : i32
    "tpu.region"() ({
      %run_scoped3A = tpu.sem_alloc : memref<!tpu.dma_semaphore, #tpu.memory_space<semaphore_mem>>
      %dma_start3A_139 = arith.constant 0 : i32
      %dma_start3A_140 = tpu.memref_slice %arg17[%dma_start3A_139] : memref<4096xf32, #tpu.memory_space<vmem>> -> memref<1024xf32, #tpu.memory_space<vmem>>
      %dma_start3A_141 = tpu.memref_slice %arg4[%mul3A_134] : memref<393216xf32, #tpu.memory_space<hbm>> -> memref<1024xf32, #tpu.memory_space<hbm>>
      %dma_start3A_142 = tpu.memref_slice %arg4[%mul3A_134] : memref<393216xf32, #tpu.memory_space<hbm>> -> memref<1024xf32, #tpu.memory_space<hbm>>
      %dma_start3A_143 = arith.constant 0 : i32
      %dma_start3A_144 = tpu.memref_slice %arg17[%dma_start3A_143] : memref<4096xf32, #tpu.memory_space<vmem>> -> memref<1024xf32, #tpu.memory_space<vmem>>
      tpu.enqueue_dma source(%dma_start3A_144 : memref<1024xf32, #tpu.memory_space<vmem>>) target(%dma_start3A_142 : memref<1024xf32, #tpu.memory_space<hbm>>) target_semaphore(%run_scoped3A : memref<!tpu.dma_semaphore, #tpu.memory_space<semaphore_mem>>)
      %dma_wait3A = arith.constant 0 : i32
      %dma_wait3A_145 = tpu.memref_slice %arg17[%dma_wait3A] : memref<4096xf32, #tpu.memory_space<vmem>> -> memref<1024xf32, #tpu.memory_space<vmem>>
      %dma_wait3A_146 = tpu.memref_slice %arg4[%mul3A_134] : memref<393216xf32, #tpu.memory_space<hbm>> -> memref<1024xf32, #tpu.memory_space<hbm>>
      %dma_wait3A_147 = tpu.memref_slice %arg4[%mul3A_134] : memref<393216xf32, #tpu.memory_space<hbm>> -> memref<1024xf32, #tpu.memory_space<hbm>>
      %dma_wait3A_148 = arith.constant 0 : i32
      %dma_wait3A_149 = tpu.memref_slice %arg17[%dma_wait3A_148] : memref<4096xf32, #tpu.memory_space<vmem>> -> memref<1024xf32, #tpu.memory_space<vmem>>
      tpu.wait_dma2 semaphore(%run_scoped3A : memref<!tpu.dma_semaphore, #tpu.memory_space<semaphore_mem>>) src(%dma_wait3A_149 : memref<1024xf32, #tpu.memory_space<vmem>>) dst(%dma_wait3A_147 : memref<1024xf32, #tpu.memory_space<hbm>>)
      tpu.yield
    }) : () -> ()
    %add3A_135 = arith.constant 11 : i32
    %add3A_136 = arith.addi %add3A_35, %add3A_135 : i32
    %mul3A_137 = arith.constant 1024 : i32
    %mul3A_138 = arith.muli %add3A_136, %mul3A_137 : i32
    "tpu.region"() ({
      %run_scoped3A = tpu.sem_alloc : memref<!tpu.dma_semaphore, #tpu.memory_space<semaphore_mem>>
      %dma_start3A_139 = arith.constant 0 : i32
      %dma_start3A_140 = tpu.memref_slice %arg18[%dma_start3A_139] : memref<4096xf32, #tpu.memory_space<vmem>> -> memref<1024xf32, #tpu.memory_space<vmem>>
      %dma_start3A_141 = tpu.memref_slice %arg4[%mul3A_138] : memref<393216xf32, #tpu.memory_space<hbm>> -> memref<1024xf32, #tpu.memory_space<hbm>>
      %dma_start3A_142 = tpu.memref_slice %arg4[%mul3A_138] : memref<393216xf32, #tpu.memory_space<hbm>> -> memref<1024xf32, #tpu.memory_space<hbm>>
      %dma_start3A_143 = arith.constant 0 : i32
      %dma_start3A_144 = tpu.memref_slice %arg18[%dma_start3A_143] : memref<4096xf32, #tpu.memory_space<vmem>> -> memref<1024xf32, #tpu.memory_space<vmem>>
      tpu.enqueue_dma source(%dma_start3A_144 : memref<1024xf32, #tpu.memory_space<vmem>>) target(%dma_start3A_142 : memref<1024xf32, #tpu.memory_space<hbm>>) target_semaphore(%run_scoped3A : memref<!tpu.dma_semaphore, #tpu.memory_space<semaphore_mem>>)
      %dma_wait3A = arith.constant 0 : i32
      %dma_wait3A_145 = tpu.memref_slice %arg18[%dma_wait3A] : memref<4096xf32, #tpu.memory_space<vmem>> -> memref<1024xf32, #tpu.memory_space<vmem>>
      %dma_wait3A_146 = tpu.memref_slice %arg4[%mul3A_138] : memref<393216xf32, #tpu.memory_space<hbm>> -> memref<1024xf32, #tpu.memory_space<hbm>>
      %dma_wait3A_147 = tpu.memref_slice %arg4[%mul3A_138] : memref<393216xf32, #tpu.memory_space<hbm>> -> memref<1024xf32, #tpu.memory_space<hbm>>
      %dma_wait3A_148 = arith.constant 0 : i32
      %dma_wait3A_149 = tpu.memref_slice %arg18[%dma_wait3A_148] : memref<4096xf32, #tpu.memory_space<vmem>> -> memref<1024xf32, #tpu.memory_space<vmem>>
      tpu.wait_dma2 semaphore(%run_scoped3A : memref<!tpu.dma_semaphore, #tpu.memory_space<semaphore_mem>>) src(%dma_wait3A_149 : memref<1024xf32, #tpu.memory_space<vmem>>) dst(%dma_wait3A_147 : memref<1024xf32, #tpu.memory_space<hbm>>)
      tpu.yield
    }) : () -> ()
    return
  }
}

</mosaic_0001>

<sc_bundles>
// kernel: kernel.3.cloned.1.call-start
scs
__scs_entry_jumppad:
0x0: {  	(pc) =	sbr.rel $0x88, $3  }
0x1: {  	(tag) =	ssettag $0x0;
	lr =	simm.s32 $0x1  }
0x2: {  	[smem:$0x3F9F] =	sst lr;
	_ =	strace $0xD0000000  }
0x3: {  	_ = 	snop  }
0x4: {  	_ = 	snop  }
0x5: {  	_ = 	snop  }
0x6: {  	_ = 	snop  }
0x7: {  	_ = 	snop  }
__scs_overlays_trampoline_lowered:
0x8: {  	[smem:$0x3FAE] =	sst s0  }
0x9: {  	[smem:$0x3FAF] =	sst s1  }
0xa: {  	[smem:$0x3FB0] =	sst s2  }
0xb: {  	[smem:$0x3FB1] =	sst s3  }
0xc: {  	[smem:$0x3FB2] =	sst s4  }
0xd: {  	[smem:$0x3FB3] =	sst s5  }
0xe: {  	[smem:$0x3FB4] =	sst s6  }
0xf: {  	[smem:$0x3FB5] =	sst s7  }
0x10: {  	[smem:$0x3FB6] =	sst s8  }
0x11: {  	[smem:$0x3FB7] =	sst s9;
	s0 =	simm.s32 @!p0 $0x0  }
0x12: {  	s1 =	sld [smem:$0x3F9D];
	s0 =	simm.s32 @p0 $0x1  }
0x13: {  	[smem:$0x3FB8] =	sst s0;
	s0 =	simm.s32 @!p1 $0x0  }
0x14: {  	s2 =	sld [smem:$0x3F9C];
	s0 =	simm.s32 @p1 $0x1  }
0x15: {  	[smem:$0x3FB9] =	sst s0;
	s0 =	simm.s32 @!p2 $0x0  }
0x16: {  	s3 =	sld [smem:$0x3FDB];
	s0 =	simm.s32 @p2 $0x1  }
0x17: {  	s4 =	simm.s32 $0x1BF5;
	[smem:$0x3FBB] =	sst s0  }
0x18: {  	s0 =	sld [smem:$0x3F9E];
	_ =	swait.ge [sflag:s4], $0x0  }
0x19: {  	s7 =	sld [smem:$0x3F9F]  }
0x1a: {  	s8 =	sadd.s32 $0xFFFFE003, lr  }
0x1b: {  	s9 =	sadd.s32 $0xFFFFFEF7, lr;
	s5 =	simm.s32 $0xFFFFFFFF;
	p2 =	slt.u32 s8, $0xFFFFF086  }
0x1c: {  	p1 =	slt.u32 s9, $0xF7A;
	s5 =	simm.s32 @!p2 $0x0  }
0x1d: {  	s5 =	simm.s32 @p1 $0x1;
	p0 =	seq.s32 s7, s2  }
0x1e: {  	s7 =	smul.u32 @!p0 $0xF7A, s2;
	p2 =	seq.s32 @!p0 s5, $0x0  }
0x1f: {  	s9 =	smul.u32 $0xF7A, s1;
	s8 =	simm.s32 @!p0 $0x1BF5;
	p2 =	por !p2, p0  }
0x20: {  	[sflag:s8] =	ssyncset.s32 @!p0 $0xFFFFF086;
	s6 =	sadd.s32 @!p0 s3, s7;
	s7 =	simm.s32 @!p0 $0x108  }
0x21: {  	s3 =	sadd.s32 s3, s9;
	s6 =	sadd.s32 @!p0 $0x88, s6;
	s7 =	simm.s32 @p2 $0x1082  }
0x22: {  	[simem:s7], [sflag:s8] =	dma.local @!p0 [hbm:s6], $0xF7A  }
0x23: {  	s9 =	sor.u32 $0xD0000000, s2;
	s6 =	simm.s32 $0x108;
	_ =	swait.ge @!p0 [sflag:s8], $0x0  }
0x24: {  	s3 =	sadd.s32 $0x88, s3;
	s6 =	simm.s32 @!p1 $0x1082;
	[sflag:s4] =	ssyncset.s32 $0xFFFFF086  }
0x25: {  	[simem:s6], [sflag:s4] =	dma.local [hbm:s3], $0xF7A  }
0x26: {  	[smem:$0x3F9F] =	sst s1;
	(tag) =	ssettag s2;
	_ =	strace s9  }
0x27: {  	s1 =	sld [smem:$0x3FAF]  }
0x28: {  	s2 =	sld [smem:$0x3FB0]  }
0x29: {  	s4 =	sld [smem:$0x3FB2]  }
0x2a: {  	p0 =	seq.s32 s5, $0x0;
	s5 =	sld [smem:$0x3FB3]  }
0x2b: {  	s6 =	sld [smem:$0x3FB4]  }
0x2c: {  	s7 =	sld [smem:$0x3FB5]  }
0x2d: {  	s3 =	simm.s32 $0x108;
	s8 =	sld [smem:$0x3FB6]  }
0x2e: {  	s3 =	simm.s32 @!p0 $0x1082;
	s9 =	sld [smem:$0x3FB7]  }
0x2f: {  	lr =	sadd.s32 s0, s3;
	s0 =	sld [smem:$0x3FAE]  }
0x30: {  	s3 =	sld [smem:$0x3FB1]  }
0x31: {  	[smem:$0x3FBA] =	sst s10  }
0x32: {  	s10 =	sld [smem:$0x3FB8];
	_ =	sdelay $0x3  }
0x33: {  	p0 =	seq.s32 s10, $0x1;
	s10 =	sld [smem:$0x3FBA];
	_ =	sdelay $0x3  }
0x34: {  	[smem:$0x3FBA] =	sst s10  }
0x35: {  	s10 =	sld [smem:$0x3FB9];
	_ =	sdelay $0x3  }
0x36: {  	p1 =	seq.s32 s10, $0x1;
	s10 =	sld [smem:$0x3FBA];
	_ =	sdelay $0x3  }
0x37: {  	[smem:$0x3FBA] =	sst s10  }
0x38: {  	s10 =	sld [smem:$0x3FBB]  }
0x39: {  	_ = 	snop;
	(pc) =	sbr.ind lr, $3  }
0x3a: {  	_ = 	snop  }
0x3b: {  	_ = 	snop  }
0x3c: {  	p2 =	seq.s32 s10, $0x1;
	s10 =	sld [smem:$0x3FBA]  }
0x3d: {  	_ =	shalt  }
0x3e: {  	_ =	shalt  }
0x3f: {  	_ =	shalt  }
0x40: {  	_ =	shalt  }
0x41: {  	_ =	shalt  }
0x42: {  	_ =	shalt  }
0x43: {  	_ =	shalt  }
0x44: {  	_ =	shalt  }
0x45: {  	_ =	shalt  }
0x46: {  	_ =	shalt  }
0x47: {  	_ =	shalt  }
0x48: {  	_ =	shalt  }
0x49: {  	_ =	shalt  }
0x4a: {  	_ =	shalt  }
0x4b: {  	_ =	shalt  }
0x4c: {  	_ =	shalt  }
0x4d: {  	_ =	shalt  }
0x4e: {  	_ =	shalt  }
0x4f: {  	_ =	shalt  }
0x50: {  	_ =	shalt  }
0x51: {  	_ =	shalt  }
0x52: {  	_ =	shalt  }
0x53: {  	_ =	shalt  }
0x54: {  	_ =	shalt  }
0x55: {  	_ =	shalt  }
0x56: {  	_ =	shalt  }
0x57: {  	_ =	shalt  }
0x58: {  	_ =	shalt  }
0x59: {  	_ =	shalt  }
0x5a: {  	_ =	shalt  }
0x5b: {  	_ =	shalt  }
0x5c: {  	_ =	shalt  }
0x5d: {  	_ =	shalt  }
0x5e: {  	_ =	shalt  }
0x5f: {  	_ =	shalt  }
0x60: {  	_ =	shalt  }
0x61: {  	_ =	shalt  }
0x62: {  	_ =	shalt  }
0x63: {  	_ =	shalt  }
0x64: {  	_ =	shalt  }
0x65: {  	_ =	shalt  }
0x66: {  	_ =	shalt  }
0x67: {  	_ =	shalt  }
0x68: {  	_ =	shalt  }
0x69: {  	_ =	shalt  }
0x6a: {  	_ =	shalt  }
0x6b: {  	_ =	shalt  }
0x6c: {  	_ =	shalt  }
0x6d: {  	_ =	shalt  }
0x6e: {  	_ =	shalt  }
0x6f: {  	_ =	shalt  }
0x70: {  	_ =	shalt  }
0x71: {  	_ =	shalt  }
0x72: {  	_ =	shalt  }
0x73: {  	_ =	shalt  }
0x74: {  	_ =	shalt  }
0x75: {  	_ =	shalt  }
0x76: {  	_ =	shalt  }
0x77: {  	_ =	shalt  }
0x78: {  	_ =	shalt  }
0x79: {  	_ =	shalt  }
0x7a: {  	_ =	shalt  }
0x7b: {  	_ =	shalt  }
0x7c: {  	_ =	shalt  }
0x7d: {  	_ =	shalt  }
0x7e: {  	_ =	shalt  }
0x7f: {  	_ =	shalt  }
0x80: {  	_ =	shalt  }
0x81: {  	_ =	shalt  }
0x82: {  	_ =	shalt  }
0x83: {  	_ =	shalt  }
0x84: {  	_ =	shalt  }
0x85: {  	_ =	shalt  }
0x86: {  	_ =	shalt  }
0x87: {  	_ =	shalt  }
.Lfunc_end0:
.L_simem_size_0:
called_computation_lowered:
.L_overlay_start_0:
0x88: {  	s2 =	sld [smem:$0x3FD9]  }
0x89: {  	s3 =	sld [smem:$0x3FFE];
	_ =	sdelay $0x1  }
0x8a: {  	s1 =	srdreg.scid  }
0x8b: {  	s0 =	sand.u32 $0x1, s1  }
0x8c: {  	s16 =	sshll.u32 s0, $0xA;
	s2 =	sadd.s32 s3, s2  }
0x8d: {  	s2 =	sadd.s32 s2, s16  }
0x8e: {  	[smem:$0x3FC6] =	sst s2  }
0x8f: {  	_ = 	snop  }
0x90: {  	(tm) =	ssettm $0x1  }
0x91: {  	s17 =	sld [smem:$0x3FFB];
	_ =	sdelay $0x3  }
0x92: {  	_ =	strace s17  }
0x93: {  	s2 =	sld [smem:$0x3FFC];
	_ =	sdelay $0x3  }
0x94: {  	_ =	strace s2  }
0x95: {  	s2 =	sld [smem:$0x3FFD];
	_ =	sdelay $0x3  }
0x96: {  	_ =	strace s2  }
0x97: {  	_ =	strace $0x8FFFFFFF  }
0x98: {  	s18 =	sld [smem:$0x3FDB];
	_ =	sdelay $0x1  }
0x99: {  	s19 =	simm.s32 $_scs_section_size  }
0x9a: {  	s4 =	simm.s32 $_size__tile_overlayer_lowered;
	s5 =	simm.s32 $_tile_overlayer_lowered  }
0x9b: {  	s22 =	simm.s32 $0x1BFF;
	s21 =	sshll.u32 s5, $0x1;
	s2 =	sadd.s32 s19, s18  }
0x9c: {  	s6 =	simm.s32 $0x0;
	s20 =	sshll.u32 s4, $0x1;
	s4 =	sadd.s32 s21, s2  }
0x9d: {  	[timem:s6], [sflag:s22] =	dma.local [hbm:s4], s20  }
0x9e: {  	_ =	swait.ge [sflag:s22], s20  }
0x9f: {  	s3 =	ssub.s32 $0x0, s20;
	[sflag:s22] =	ssyncset.done $0x0  }
0xa0: {  	[sflag:s22] =	ssyncadd.s32 s3;
	_ =	sdelay $0x1  }
0xa1: {  	s23 =	simm.s32 $0x1B8B  }
0xa2: {  	_ =	swait.ge [sflag:s23], $0x1  }
0xa3: {  	[sflag:s23] =	ssyncset.done $0x0  }
0xa4: {  	s25 =	simm.s32 $0x1B8E;
	s24 =	sld [smem:$0x3FFE];
	[sflag:s23] =	ssyncadd.s32 $0xFFFFFFFF  }
0xa5: {  	s26 =	simm.s32 $execute0_lowered;
	[smem:$0x3FD2] =	sst s25  }
0xa6: {  	s4 =	sshll.u32 s26, $0x1;
	_ =	strace $0x80000046;
	[dreg:$0x1] =	wrdreg $0xFFFFFFFF  }
0xa7: {  	s28 =	simm.s32 $_size_execute0_lowered;
	s2 =	sadd.s32 s2, s4;
	[dreg:$0x0] =	wrdreg $0x0  }
0xa8: {  	s4 =	sshll.u32 s28, $0x1;
	[dreg:$0x2] =	wrdreg s2  }
0xa9: {  	[dreg:$0x3] =	wrdreg s4  }
0xaa: {  	[dreg:$0x4] =	wrdreg $0xC0  }
0xab: {  	_ =	task [dreg:s6], $0x5FFFF  }
0xac: {  	[dreg:$0x1] =	wrdreg $0xFFFFFFFF  }
0xad: {  	[dreg:$0x0] =	wrdreg $0x60  }
0xae: {  	[dreg:$0x2] =	wrdreg s24  }
0xaf: {  	[dreg:$0x3] =	wrdreg $0x9  }
0xb0: {  	_ =	task.clear_ibuf [dreg:s6], $0x4FFFF;
	_ =	strace $0x90000046  }
0xb1: {  	s29 =	simm.s32 $0x9;
	_ =	strace $0x80000048  }
0xb2: {  	_ =	swait.ge [sflag:s29], $0x1  }
0xb3: {  	[sflag:s29] =	ssyncadd.s32 $0xFFFFFFFF  }
0xb4: {  	_ =	strace $0x90000048  }
0xb5: {  	_ =	sfence  }
0xb6: {  	s30 =	sld [smem:$0x0];
	_ =	sdelay $0x2  }
0xb7: {  	s31 =	sshll.u32 s1, $0xD;
	s1 =	sshrl.u32 s1, $0x2  }
0xb8: {  	s3 =	sand.u32 $0x4000, s31;
	s1 =	sadd.s32 s1, s30  }
0xb9: {  	s0 =	sor.u32 s3, s0;
	s1 =	sshll.u32 s1, $0x11  }
0xba: {  	s0 =	sor.u32 s1, s0  }
0xbb: {  	s0 =	sadd.s32 $0x8F2B, s0  }
0xbc: {  	[sflag:s0] =	ssyncadd.remote.s32 $0x1  }
0xbd: {  	_ =	sfence.sel $0xFFFF  }
0xbe: {  	[dreg:$0x0] =	wrdreg $0xFFFFFFFF;
	(pc) =	sbr.abs _section_cstart, $3  }
0xbf: {  	[dreg:$0x1] =	wrdreg $0xFFFFFFFF  }
0xc0: {  	_ =	task.clear_ibuf [dreg:s6], $0x2FFFF;
	_ =	strace $0x9FFFFFFF  }
0xc1: {  	(tm) =	ssettm $0x7FFFFFFF  }
tec
execute0_lowered:
.L_overlay_start_1:
0x0: {  	(tag) =	ssettag $0x1  }
0x1: {  	s2 =	stileid.u32  }
0x2: {  	s0 =	srdreg.scid;
	s6 =	rddreg [dreg:$0x0];
	s3 =	simm.s32 $0x0  }
0x3: {  	s28 =	simm.s32 $0x1;
	s1 =	sshll.u32 s2, $0x1;
	s2 =	sshrl.u32 s2, $0x2  }
0x4: {  	s0 =	sand.u32 $0x1, s0;
	s1 =	sand.u32 $0x6, s1;
	s4 =	smul.u32 $0x60, s2  }
0x5: {  	[smem:$0x7FF] =	sst s3;
	s3 =	smul.u32 $0x24000, s2;
	s1 =	sor.u32 s0, s1  }
0x6: {  	s30 =	simm.s32 $0x19000;
	s0 =	ssub.s32 $0x2, s0;
	s5 =	smul.u32 $0xC, s1  }
0x7: {  	s31 =	simm.s32 $0xD000;
	s7 =	smul.u32 $0x4800, s1;
	s9 =	sshrl.u32 s0, $0x1  }
0x8: {  	s11 =	simm.s32 $0x15000;
	_ =	strace $0x80000047;
	s0 =	ssub.s32 s0, s9  }
0x9: {  	s12 =	sadd.s32 s4, s5;
	s5 =	sadd.s32 $0x400, s6;
	s13 =	sadd.s32 s3, s7  }
0xa: {  	s0 =	smax.u32 s0, $0x1;
	s8 =	sshll.u32 s12, $0x7;
	s10 =	sshrl.u32 s13, $0x3  }
0xb: {  	[dreg:$0x10] =	wrdreg s0;
	s8 =	sadd.s32 s8, s6;
	s14 =	sadd.s32 s5, s10  }
0xc: {  	s1 =	smul.u32 $0x9, s1;
	[dreg:$0x2] =	wrdreg s14;
	s16 =	sadd.s32 $0x6D2400, s8  }
0xd: {  	s9 =	simm.s32 $0x13000;
	s17 =	sadd.s32 $0x6D2480, s8;
	[dreg:$0x3] =	wrdreg s16  }
0xe: {  	s4 =	sadd.s32 $0x12400, s6;
	s18 =	sadd.s32 $0x6D2500, s8;
	[dreg:$0x4] =	wrdreg s17  }
0xf: {  	s0 =	simm.s32 $0xF000;
	s19 =	sadd.s32 $0x6D2580, s8;
	[dreg:$0x5] =	wrdreg s18  }
0x10: {  	s13 =	simm.s32 $0x17000;
	s20 =	sadd.s32 $0x6D2600, s8;
	[dreg:$0x6] =	wrdreg s19  }
0x11: {  	s6 =	smul.u32 $0x24000, s12;
	s21 =	sadd.s32 $0x6D2680, s8;
	[dreg:$0x8] =	wrdreg s20  }
0x12: {  	s10 =	simm.s32 $0x14000;
	s22 =	sadd.s32 $0x6D2700, s8;
	[dreg:$0x9] =	wrdreg s21  }
0x13: {  	s12 =	simm.s32 $0x16000;
	s23 =	sadd.s32 $0x6D2780, s8;
	[dreg:$0xa] =	wrdreg s22  }
0x14: {  	s24 =	sadd.s32 $0x6D2800, s8;
	s25 =	sadd.s32 $0x6D2880, s8;
	[dreg:$0xb] =	wrdreg s23  }
0x15: {  	s26 =	sadd.s32 $0x6D2900, s8;
	s29 =	sadd.s32 $0x6D2980, s8;
	[dreg:$0xc] =	wrdreg s24  }
0x16: {  	s8 =	simm.s32 $0x12000;
	s14 =	simm.s32 $0x18000;
	[dreg:$0xd] =	wrdreg s25  }
0x17: {  	s15 =	sadd.s32 s7, s6;
	s18 =	sadd.s32 $0x2, s1;
	[dreg:$0xe] =	wrdreg s26  }
0x18: {  	[dreg:$0xf] =	wrdreg s29;
	s24 =	simm.s32 $0x800;
	s26 =	simm.s32 $0x10000  }
0x19: {  	s7 =	simm.s32 $0x11000;
	s16 =	simm.s32 $0x2;
	s2 =	sshrl.u32 s15, $0x3  }
0x1a: {  	v0 =	vimm.f32 $0.0e+00;
	v3 =	vlaneseq.u32;
	s17 =	simm.s32 $0x3;
	s19 =	simm.s32 $0x0;
	s2 =	sadd.s32 s4, s2  }
0x1b: {  	v2 =	vimm.f32 $1.000000000e+00;
	v1 =	vand.u32 $0x3, v3;
	v3 =	vmul.u32 $0x4, v3;
	s15 =	sadd.s32 $0x1, s1;
	s1 =	simm.s32 $0xE000;
	[dreg:$0x7] =	wrdreg s2  }
.LBB2_1:
0x1c: {  	[dreg:$0x11] =	wrdreg s19;
	s2 =	simm.s32 $0x0  }
0x1d: {  	[tilespmem:s2+$0x19030] =	vst v0  }
0x1e: {  	[tilespmem:s2+$0xD000] =	vst v0  }
0x1f: {  	[tilespmem:s2+$0xE000] =	vst v0  }
0x20: {  	[tilespmem:s2+$0xF000] =	vst v0  }
0x21: {  	[tilespmem:s2+$0x10000] =	vst v0  }
0x22: {  	[tilespmem:s2+$0x11000] =	vst v0  }
0x23: {  	[tilespmem:s2+$0x12000] =	vst v0  }
0x24: {  	[tilespmem:s2+$0x13000] =	vst v0  }
0x25: {  	[tilespmem:s2+$0x14000] =	vst v0  }
0x26: {  	[tilespmem:s2+$0x15000] =	vst v0  }
0x27: {  	[tilespmem:s2+$0x16000] =	vst v0  }
0x28: {  	[tilespmem:s2+$0x17000] =	vst v0  }
0x29: {  	[tilespmem:s2+$0x18000] =	vst v0  }
0x2a: {  	[tilespmem:s2+$0x19000] =	vst v0  }
0x2b: {  	[tilespmem:s2+$0xD010] =	vst v0  }
0x2c: {  	[tilespmem:s2+$0xE010] =	vst v0  }
0x2d: {  	[tilespmem:s2+$0xF010] =	vst v0  }
0x2e: {  	[tilespmem:s2+$0x10010] =	vst v0  }
0x2f: {  	[tilespmem:s2+$0x11010] =	vst v0  }
0x30: {  	[tilespmem:s2+$0x12010] =	vst v0  }
0x31: {  	[tilespmem:s2+$0x13010] =	vst v0  }
0x32: {  	[tilespmem:s2+$0x14010] =	vst v0  }
0x33: {  	[tilespmem:s2+$0x15010] =	vst v0  }
0x34: {  	[tilespmem:s2+$0x16010] =	vst v0  }
0x35: {  	[tilespmem:s2+$0x17010] =	vst v0  }
0x36: {  	[tilespmem:s2+$0x18010] =	vst v0  }
0x37: {  	[tilespmem:s2+$0x19010] =	vst v0  }
0x38: {  	[tilespmem:s2+$0xD020] =	vst v0  }
0x39: {  	[tilespmem:s2+$0xE020] =	vst v0  }
0x3a: {  	[tilespmem:s2+$0xF020] =	vst v0  }
0x3b: {  	[tilespmem:s2+$0x10020] =	vst v0  }
0x3c: {  	[tilespmem:s2+$0x11020] =	vst v0  }
0x3d: {  	[tilespmem:s2+$0x12020] =	vst v0  }
0x3e: {  	[tilespmem:s2+$0x13020] =	vst v0  }
0x3f: {  	[tilespmem:s2+$0x14020] =	vst v0  }
0x40: {  	[tilespmem:s2+$0x15020] =	vst v0  }
0x41: {  	[tilespmem:s2+$0x16020] =	vst v0  }
0x42: {  	[tilespmem:s2+$0x17020] =	vst v0  }
0x43: {  	[tilespmem:s2+$0x18020] =	vst v0  }
0x44: {  	[tilespmem:s2+$0x19020] =	vst v0  }
0x45: {  	[tilespmem:s2+$0xD030] =	vst v0  }
0x46: {  	[tilespmem:s2+$0xE030] =	vst v0  }
0x47: {  	[tilespmem:s2+$0xF030] =	vst v0  }
0x48: {  	[tilespmem:s2+$0x10030] =	vst v0  }
0x49: {  	[tilespmem:s2+$0x11030] =	vst v0  }
0x4a: {  	[tilespmem:s2+$0x12030] =	vst v0  }
0x4b: {  	[tilespmem:s2+$0x13030] =	vst v0  }
0x4c: {  	[tilespmem:s2+$0x14030] =	vst v0  }
0x4d: {  	[tilespmem:s2+$0x15030] =	vst v0  }
0x4e: {  	[tilespmem:s2+$0x16030] =	vst v0  }
0x4f: {  	s19 =	simm.s32 $0x0;
	s20 =	simm.s32 $0x100;
	[tilespmem:s2+$0x17030] =	vst v0  }
.LBB2_2:
0x50: {  	s19 =	sadd.s32 $0x4, s19;
	[tilespmem:s2+$0x18030] =	vst v0;
	s2 =	sshra.s32 s20, $0x2  }
0x51: {  	[tilespmem:s2+$0x19030] =	vst v0;
	p0 =	slt.u32 s19, $0xFC  }
0x52: {  	[tilespmem:s2+$0xD000] =	vst v0  }
0x53: {  	[tilespmem:s2+$0xE000] =	vst v0  }
0x54: {  	[tilespmem:s2+$0xF000] =	vst v0  }
0x55: {  	[tilespmem:s2+$0x10000] =	vst v0  }
0x56: {  	[tilespmem:s2+$0x11000] =	vst v0  }
0x57: {  	[tilespmem:s2+$0x12000] =	vst v0  }
0x58: {  	[tilespmem:s2+$0x13000] =	vst v0  }
0x59: {  	[tilespmem:s2+$0x14000] =	vst v0  }
0x5a: {  	[tilespmem:s2+$0x15000] =	vst v0  }
0x5b: {  	[tilespmem:s2+$0x16000] =	vst v0  }
0x5c: {  	[tilespmem:s2+$0x17000] =	vst v0  }
0x5d: {  	[tilespmem:s2+$0x18000] =	vst v0  }
0x5e: {  	[tilespmem:s2+$0x19000] =	vst v0  }
0x5f: {  	[tilespmem:s2+$0xD010] =	vst v0  }
0x60: {  	[tilespmem:s2+$0xE010] =	vst v0  }
0x61: {  	[tilespmem:s2+$0xF010] =	vst v0  }
0x62: {  	[tilespmem:s2+$0x10010] =	vst v0  }
0x63: {  	[tilespmem:s2+$0x11010] =	vst v0  }
0x64: {  	[tilespmem:s2+$0x12010] =	vst v0  }
0x65: {  	[tilespmem:s2+$0x13010] =	vst v0  }
0x66: {  	[tilespmem:s2+$0x14010] =	vst v0  }
0x67: {  	[tilespmem:s2+$0x15010] =	vst v0  }
0x68: {  	[tilespmem:s2+$0x16010] =	vst v0  }
0x69: {  	[tilespmem:s2+$0x17010] =	vst v0  }
0x6a: {  	[tilespmem:s2+$0x18010] =	vst v0  }
0x6b: {  	[tilespmem:s2+$0x19010] =	vst v0  }
0x6c: {  	[tilespmem:s2+$0xD020] =	vst v0  }
0x6d: {  	[tilespmem:s2+$0xE020] =	vst v0  }
0x6e: {  	[tilespmem:s2+$0xF020] =	vst v0  }
0x6f: {  	[tilespmem:s2+$0x10020] =	vst v0  }
0x70: {  	[tilespmem:s2+$0x11020] =	vst v0  }
0x71: {  	[tilespmem:s2+$0x12020] =	vst v0  }
0x72: {  	[tilespmem:s2+$0x13020] =	vst v0  }
0x73: {  	[tilespmem:s2+$0x14020] =	vst v0  }
0x74: {  	[tilespmem:s2+$0x15020] =	vst v0  }
0x75: {  	[tilespmem:s2+$0x16020] =	vst v0  }
0x76: {  	[tilespmem:s2+$0x17020] =	vst v0  }
0x77: {  	[tilespmem:s2+$0x18020] =	vst v0  }
0x78: {  	[tilespmem:s2+$0x19020] =	vst v0  }
0x79: {  	[tilespmem:s2+$0xD030] =	vst v0  }
0x7a: {  	[tilespmem:s2+$0xE030] =	vst v0  }
0x7b: {  	[tilespmem:s2+$0xF030] =	vst v0  }
0x7c: {  	[tilespmem:s2+$0x10030] =	vst v0  }
0x7d: {  	[tilespmem:s2+$0x11030] =	vst v0  }
0x7e: {  	[tilespmem:s2+$0x12030] =	vst v0  }
.Ltmp0:
0x7f: {  	[tilespmem:s2+$0x13030] =	vst v0;
	(pc) =	sbr.rel @p0 .LBB2_2-.Ltmp0, $4  }
0x80: {  	[tilespmem:s2+$0x14030] =	vst v0  }
0x81: {  	[tilespmem:s2+$0x15030] =	vst v0  }
0x82: {  	[tilespmem:s2+$0x16030] =	vst v0  }
0x83: {  	s20 =	sadd.s32 $0x100, s20;
	[tilespmem:s2+$0x17030] =	vst v0  }
0x84: {  	[tilespmem:s2+$0x18030] =	vst v0  }
0x85: {  	s20 =	simm.s32 $0x0;
	s2 =	rddreg [dreg:$0x2]  }
0x86: {  	[tilespmem:s20], [sflag:$0x1] =	stream.linear.gather [hbm4b:s2+s20], $0x800, $0x38;
	[tilespmem:$0x1A000] =	vst v63  }
0x87: {  	s19 =	simm.s32 $0x24000;
	s21 =	simm.s32 $0x1000;
	s29 =	rddreg [dreg:$0x7]  }
0x88: {  	[tilespmem:s21], [sflag:$0x1] =	stream.strided.gather [hbm4b:s29+s24], $0x6000, s19, s24, $0x38;
	[tilespmem:$0x1A000] =	vst v63  }
0x89: {  	s21 =	simm.s32 $0x0  }
.LBB2_4:
0x8a: {  	s22 =	sshll.u32 s21, $0x1  }
0x8b: {  	s2 =	sadd.s32 s22, s15  }
0x8c: {  	s19 =	smulhi.u32 $0x38E38E39, s2;
	_ =	sdelay $0x1  }
0x8d: {  	s19 =	sshrl.u32 s19, $0x4  }
0x8e: {  	s19 =	smul.u32 $0x48, s19  }
0x8f: {  	_ =	swait.ge [sflag:s28], $0x800  }
0x90: {  	[sflag:s28] =	ssyncset.done $0x0;
	s2 =	ssub.s32 s2, s19  }
0x91: {  	[sflag:s28] =	ssyncadd.s32 $0xFFFFF800;
	s2 =	sshll.u32 s2, $0xB  }
0x92: {  	_ =	swait.ge [sflag:s28], $0x6000;
	s23 =	sadd.s32 s3, s2  }
0x93: {  	[sflag:s28] =	ssyncset.done $0x0;
	s2 =	sadd.s32 s6, s2;
	s19 =	sshrl.u32 s23, $0x3  }
0x94: {  	[sflag:s28] =	ssyncadd.s32 $0xFFFFA000;
	s2 =	sshrl.u32 s2, $0x3;
	s19 =	sadd.s32 s5, s19  }
0x95: {  	[tilespmem:s24], [sflag:$0x2] =	stream.linear.gather [hbm4b:s19+s20], $0x800, $0x38;
	[tilespmem:$0x1A000] =	vst v63  }
0x96: {  	s25 =	simm.s32 $0x24000;
	s23 =	simm.s32 $0x7000;
	s2 =	sadd.s32 s4, s2  }
0x97: {  	[tilespmem:s23], [sflag:$0x2] =	stream.strided.gather [hbm4b:s2+s24], $0x6000, s25, s24, $0x38;
	[tilespmem:$0x1A000] =	vst v63  }
0x98: {  	s23 =	simm.s32 $0x0  }
0x99: {  	v4 =	vld [tilespmem:s23+$0x10];
	_ =	sdelay $0x4  }
0x9a: {  	v4 =	vshll.u32 v4, $0x2  }
0x9b: {  	v7 =	vor.u32 v1, v4  }
0x9c: {  	v4 =	vld [tilespmem:s23+$0x0];
	_ =	sdelay $0x3  }
0x9d: {  	[tilespmem:v7+s30+$0x0] =	vst.idx.add.f32.msk $0xffff, v2  }
0x9e: {  	v4 =	vshll.u32 v4, $0x2;
	v5 =	vld [tilespmem:s23+$0x1010]  }
0x9f: {  	v4 =	vor.u32 v1, v4;
	_ =	sdelay $0x3  }
0xa0: {  	[tilespmem:v7+s31+$0x0] =	vst.idx.add.f32.msk $0xffff, v5  }
0xa1: {  	[tilespmem:v4+s30+$0x0] =	vst.idx.add.f32.msk $0xffff, v2  }
0xa2: {  	v5 =	vld [tilespmem:s23+$0x1810]  }
0xa3: {  	v6 =	vld [tilespmem:s23+$0x1000];
	_ =	sdelay $0x3  }
0xa4: {  	[tilespmem:v7+s1+$0x0] =	vst.idx.add.f32.msk $0xffff, v5  }
0xa5: {  	[tilespmem:v4+s31+$0x0] =	vst.idx.add.f32.msk $0xffff, v6  }
0xa6: {  	v5 =	vld [tilespmem:s23+$0x2010]  }
0xa7: {  	v6 =	vld [tilespmem:s23+$0x1800];
	_ =	sdelay $0x3  }
0xa8: {  	[tilespmem:v7+s0+$0x0] =	vst.idx.add.f32.msk $0xffff, v5  }
0xa9: {  	[tilespmem:v4+s1+$0x0] =	vst.idx.add.f32.msk $0xffff, v6  }
0xaa: {  	v5 =	vld [tilespmem:s23+$0x2810]  }
0xab: {  	v6 =	vld [tilespmem:s23+$0x2000];
	_ =	sdelay $0x3  }
0xac: {  	[tilespmem:v7+s26+$0x0] =	vst.idx.add.f32.msk $0xffff, v5  }
0xad: {  	[tilespmem:v4+s0+$0x0] =	vst.idx.add.f32.msk $0xffff, v6  }
0xae: {  	v5 =	vld [tilespmem:s23+$0x3010]  }
0xaf: {  	v6 =	vld [tilespmem:s23+$0x2800];
	_ =	sdelay $0x3  }
0xb0: {  	[tilespmem:v7+s7+$0x0] =	vst.idx.add.f32.msk $0xffff, v5  }
0xb1: {  	[tilespmem:v4+s26+$0x0] =	vst.idx.add.f32.msk $0xffff, v6  }
0xb2: {  	v5 =	vld [tilespmem:s23+$0x3810]  }
0xb3: {  	v6 =	vld [tilespmem:s23+$0x3000];
	_ =	sdelay $0x3  }
0xb4: {  	[tilespmem:v7+s8+$0x0] =	vst.idx.add.f32.msk $0xffff, v5  }
0xb5: {  	[tilespmem:v4+s7+$0x0] =	vst.idx.add.f32.msk $0xffff, v6  }
0xb6: {  	v5 =	vld [tilespmem:s23+$0x4010]  }
0xb7: {  	v6 =	vld [tilespmem:s23+$0x3800];
	_ =	sdelay $0x1  }
0xb8: {  	s2 =	simm.s32 $0x20  }
0xb9: {  	v8 =	vld [tilespmem:s2+$0x10]  }
0xba: {  	[tilespmem:v7+s9+$0x0] =	vst.idx.add.f32.msk $0xffff, v5  }
0xbb: {  	[tilespmem:v4+s8+$0x0] =	vst.idx.add.f32.msk $0xffff, v6  }
0xbc: {  	v6 =	vld [tilespmem:s2+$0x0]  }
0xbd: {  	v9 =	vld [tilespmem:s23+$0x4810];
	_ =	sdelay $0x1  }
0xbe: {  	v5 =	vshll.u32 v8, $0x2;
	v10 =	vld [tilespmem:s23+$0x4000]  }
0xbf: {  	v5 =	vor.u32 v1, v5  }
0xc0: {  	v6 =	vshll.u32 v6, $0x2  }
0xc1: {  	[tilespmem:v7+s10+$0x0] =	vst.idx.add.f32.msk $0xffff, v9;
	v6 =	vor.u32 v1, v6  }
0xc2: {  	v8 =	vld [tilespmem:s23+$0x5010]  }
0xc3: {  	[tilespmem:v4+s9+$0x0] =	vst.idx.add.f32.msk $0xffff, v10  }
0xc4: {  	[tilespmem:v5+s30+$0x0] =	vst.idx.add.f32.msk $0xffff, v2  }
0xc5: {  	v9 =	vld [tilespmem:s2+$0x1010]  }
0xc6: {  	[tilespmem:v6+s30+$0x0] =	vst.idx.add.f32.msk $0xffff, v2  }
0xc7: {  	[tilespmem:v7+s11+$0x0] =	vst.idx.add.f32.msk $0xffff, v8  }
0xc8: {  	v10 =	vld [tilespmem:s2+$0x1000]  }
0xc9: {  	v8 =	vld [tilespmem:s23+$0x5810];
	_ =	sdelay $0x1  }
0xca: {  	[tilespmem:v5+s31+$0x0] =	vst.idx.add.f32.msk $0xffff, v9  }
0xcb: {  	v9 =	vld [tilespmem:s2+$0x1810]  }
0xcc: {  	[tilespmem:v6+s31+$0x0] =	vst.idx.add.f32.msk $0xffff, v10  }
0xcd: {  	[tilespmem:v7+s12+$0x0] =	vst.idx.add.f32.msk $0xffff, v8  }
0xce: {  	v10 =	vld [tilespmem:s2+$0x1800]  }
0xcf: {  	v8 =	vld [tilespmem:s23+$0x6010];
	_ =	sdelay $0x1  }
0xd0: {  	[tilespmem:v5+s1+$0x0] =	vst.idx.add.f32.msk $0xffff, v9  }
0xd1: {  	v9 =	vld [tilespmem:s2+$0x2010]  }
0xd2: {  	[tilespmem:v6+s1+$0x0] =	vst.idx.add.f32.msk $0xffff, v10  }
0xd3: {  	[tilespmem:v7+s13+$0x0] =	vst.idx.add.f32.msk $0xffff, v8  }
0xd4: {  	v10 =	vld [tilespmem:s2+$0x2000]  }
0xd5: {  	v8 =	vld [tilespmem:s23+$0x6810]  }
0xd6: {  	[tilespmem:v5+s0+$0x0] =	vst.idx.add.f32.msk $0xffff, v9  }
0xd7: {  	v9 =	vld [tilespmem:s2+$0x2810]  }
0xd8: {  	v11 =	vld [tilespmem:s23+$0x4800]  }
0xd9: {  	[tilespmem:v6+s0+$0x0] =	vst.idx.add.f32.msk $0xffff, v10  }
0xda: {  	[tilespmem:v7+s14+$0x0] =	vst.idx.add.f32.msk $0xffff, v8  }
0xdb: {  	v7 =	vld [tilespmem:s2+$0x2800]  }
0xdc: {  	[tilespmem:v5+s26+$0x0] =	vst.idx.add.f32.msk $0xffff, v9  }
0xdd: {  	v8 =	vld [tilespmem:s2+$0x3010]  }
0xde: {  	[tilespmem:v4+s10+$0x0] =	vst.idx.add.f32.msk $0xffff, v11  }
0xdf: {  	v9 =	vld [tilespmem:s23+$0x5000]  }
0xe0: {  	[tilespmem:v6+s26+$0x0] =	vst.idx.add.f32.msk $0xffff, v7  }
0xe1: {  	v7 =	vld [tilespmem:s2+$0x3000]  }
0xe2: {  	[tilespmem:v5+s7+$0x0] =	vst.idx.add.f32.msk $0xffff, v8  }
0xe3: {  	v8 =	vld [tilespmem:s2+$0x3810]  }
0xe4: {  	[tilespmem:v4+s11+$0x0] =	vst.idx.add.f32.msk $0xffff, v9  }
0xe5: {  	v10 =	vld [tilespmem:s23+$0x5800]  }
0xe6: {  	[tilespmem:v6+s7+$0x0] =	vst.idx.add.f32.msk $0xffff, v7  }
0xe7: {  	v9 =	vld [tilespmem:s2+$0x3800]  }
0xe8: {  	[tilespmem:v5+s8+$0x0] =	vst.idx.add.f32.msk $0xffff, v8  }
0xe9: {  	v8 =	vld [tilespmem:s2+$0x4010]  }
0xea: {  	[tilespmem:v4+s12+$0x0] =	vst.idx.add.f32.msk $0xffff, v10  }
0xeb: {  	s29 =	simm.s32 $0x100;
	s19 =	simm.s32 $0x2;
	v7 =	vld [tilespmem:s23+$0x6000]  }
.LBB2_5:
0xec: {  	s25 =	sshra.s32 s29, $0x2;
	s19 =	sadd.s32 $0x2, s19;
	[tilespmem:v6+s8+$0x0] =	vst.idx.add.f32.msk $0xffff, v9  }
0xed: {  	v9 =	vld [tilespmem:s25+$0x10];
	p0 =	slt.u32 s19, $0x7E  }
0xee: {  	[tilespmem:v5+s9+$0x0] =	vst.idx.add.f32.msk $0xffff, v8  }
0xef: {  	v8 =	vld [tilespmem:s2+$0x4810]  }
0xf0: {  	v10 =	vld [tilespmem:s25+$0x0]  }
0xf1: {  	v11 =	vld [tilespmem:s2+$0x4000]  }
0xf2: {  	v9 =	vshll.u32 v9, $0x2;
	[tilespmem:v4+s13+$0x0] =	vst.idx.add.f32.msk $0xffff, v7  }
0xf3: {  	v7 =	vor.u32 v1, v9;
	v9 =	vld [tilespmem:s23+$0x6800];
	s23 =	smov.u32 s2;
	s2 =	smov.u32 s25  }
0xf4: {  	[tilespmem:v5+s10+$0x0] =	vst.idx.add.f32.msk $0xffff, v8  }
0xf5: {  	v8 =	vshll.u32 v10, $0x2;
	v10 =	vld [tilespmem:s23+$0x5010]  }
0xf6: {  	v8 =	vor.u32 v1, v8;
	[tilespmem:v6+s9+$0x0] =	vst.idx.add.f32.msk $0xffff, v11  }
0xf7: {  	v11 =	vld [tilespmem:s23+$0x4800]  }
0xf8: {  	[tilespmem:v7+s30+$0x0] =	vst.idx.add.f32.msk $0xffff, v2  }
0xf9: {  	v12 =	vld [tilespmem:s2+$0x1010]  }
0xfa: {  	[tilespmem:v5+s11+$0x0] =	vst.idx.add.f32.msk $0xffff, v10  }
0xfb: {  	v10 =	vld [tilespmem:s23+$0x5810]  }
0xfc: {  	[tilespmem:v8+s30+$0x0] =	vst.idx.add.f32.msk $0xffff, v2  }
0xfd: {  	v13 =	vld [tilespmem:s2+$0x1000]  }
0xfe: {  	[tilespmem:v7+s31+$0x0] =	vst.idx.add.f32.msk $0xffff, v12  }
0xff: {  	v12 =	vld [tilespmem:s2+$0x1810]  }
0x100: {  	[tilespmem:v5+s12+$0x0] =	vst.idx.add.f32.msk $0xffff, v10  }
0x101: {  	v10 =	vld [tilespmem:s23+$0x6010]  }
0x102: {  	[tilespmem:v8+s31+$0x0] =	vst.idx.add.f32.msk $0xffff, v13  }
0x103: {  	v13 =	vld [tilespmem:s2+$0x1800]  }
0x104: {  	[tilespmem:v7+s1+$0x0] =	vst.idx.add.f32.msk $0xffff, v12  }
0x105: {  	v12 =	vld [tilespmem:s2+$0x2010]  }
0x106: {  	[tilespmem:v5+s13+$0x0] =	vst.idx.add.f32.msk $0xffff, v10  }
0x107: {  	v10 =	vld [tilespmem:s23+$0x6810]  }
0x108: {  	[tilespmem:v8+s1+$0x0] =	vst.idx.add.f32.msk $0xffff, v13  }
0x109: {  	v13 =	vld [tilespmem:s2+$0x2000]  }
0x10a: {  	[tilespmem:v7+s0+$0x0] =	vst.idx.add.f32.msk $0xffff, v12  }
0x10b: {  	v12 =	vld [tilespmem:s2+$0x2810]  }
0x10c: {  	[tilespmem:v5+s14+$0x0] =	vst.idx.add.f32.msk $0xffff, v10;
	v5 =	vmov v7  }
0x10d: {  	[tilespmem:v6+s10+$0x0] =	vst.idx.add.f32.msk $0xffff, v11  }
0x10e: {  	[tilespmem:v8+s0+$0x0] =	vst.idx.add.f32.msk $0xffff, v13  }
0x10f: {  	v10 =	vld [tilespmem:s2+$0x2800]  }
0x110: {  	[tilespmem:v7+s26+$0x0] =	vst.idx.add.f32.msk $0xffff, v12  }
0x111: {  	v7 =	vld [tilespmem:s2+$0x3010]  }
0x112: {  	v11 =	vld [tilespmem:s23+$0x5000]  }
0x113: {  	[tilespmem:v4+s14+$0x0] =	vst.idx.add.f32.msk $0xffff, v9;
	v4 =	vmov v6;
	v6 =	vmov v8  }
0x114: {  	[tilespmem:v8+s26+$0x0] =	vst.idx.add.f32.msk $0xffff, v10  }
0x115: {  	v8 =	vld [tilespmem:s2+$0x3000]  }
0x116: {  	[tilespmem:v5+s7+$0x0] =	vst.idx.add.f32.msk $0xffff, v7  }
0x117: {  	v7 =	vld [tilespmem:s2+$0x3810]  }
0x118: {  	[tilespmem:v4+s11+$0x0] =	vst.idx.add.f32.msk $0xffff, v11  }
0x119: {  	v10 =	vld [tilespmem:s23+$0x5800]  }
0x11a: {  	[tilespmem:v6+s7+$0x0] =	vst.idx.add.f32.msk $0xffff, v8  }
.Ltmp1:
0x11b: {  	v9 =	vld [tilespmem:s2+$0x3800];
	(pc) =	sbr.rel @p0 .LBB2_5-.Ltmp1, $4  }
0x11c: {  	[tilespmem:v5+s8+$0x0] =	vst.idx.add.f32.msk $0xffff, v7  }
0x11d: {  	v8 =	vld [tilespmem:s2+$0x4010]  }
0x11e: {  	[tilespmem:v4+s12+$0x0] =	vst.idx.add.f32.msk $0xffff, v10  }
0x11f: {  	s29 =	sadd.s32 $0x80, s29;
	v7 =	vld [tilespmem:s23+$0x6000]  }
0x120: {  	_ =	sdelay $0x3  }
0x121: {  	[tilespmem:v6+s8+$0x0] =	vst.idx.add.f32.msk $0xffff, v9  }
0x122: {  	v9 =	vld [tilespmem:s2+$0x4000];
	_ =	sdelay $0x2  }
0x123: {  	[tilespmem:v5+s9+$0x0] =	vst.idx.add.f32.msk $0xffff, v8  }
0x124: {  	v8 =	vld [tilespmem:s2+$0x4810]  }
0x125: {  	[tilespmem:v6+s9+$0x0] =	vst.idx.add.f32.msk $0xffff, v9  }
0x126: {  	v9 =	vld [tilespmem:s2+$0x4800];
	_ =	sdelay $0x2  }
0x127: {  	[tilespmem:v5+s10+$0x0] =	vst.idx.add.f32.msk $0xffff, v8  }
0x128: {  	v8 =	vld [tilespmem:s2+$0x5010]  }
0x129: {  	[tilespmem:v6+s10+$0x0] =	vst.idx.add.f32.msk $0xffff, v9  }
0x12a: {  	v9 =	vld [tilespmem:s2+$0x5000];
	_ =	sdelay $0x2  }
0x12b: {  	[tilespmem:v5+s11+$0x0] =	vst.idx.add.f32.msk $0xffff, v8  }
0x12c: {  	v8 =	vld [tilespmem:s2+$0x5810]  }
0x12d: {  	[tilespmem:v6+s11+$0x0] =	vst.idx.add.f32.msk $0xffff, v9  }
0x12e: {  	v9 =	vld [tilespmem:s2+$0x5800];
	_ =	sdelay $0x2  }
0x12f: {  	[tilespmem:v5+s12+$0x0] =	vst.idx.add.f32.msk $0xffff, v8  }
0x130: {  	v8 =	vld [tilespmem:s2+$0x6010]  }
0x131: {  	[tilespmem:v6+s12+$0x0] =	vst.idx.add.f32.msk $0xffff, v9  }
0x132: {  	v9 =	vld [tilespmem:s2+$0x6000]  }
0x133: {  	[tilespmem:v4+s13+$0x0] =	vst.idx.add.f32.msk $0xffff, v7  }
0x134: {  	v7 =	vld [tilespmem:s23+$0x6800]  }
0x135: {  	[tilespmem:v5+s13+$0x0] =	vst.idx.add.f32.msk $0xffff, v8  }
0x136: {  	v8 =	vld [tilespmem:s2+$0x6810]  }
0x137: {  	[tilespmem:v6+s13+$0x0] =	vst.idx.add.f32.msk $0xffff, v9  }
0x138: {  	p0 =	seq.s32 s21, $0x23;
	v9 =	vld [tilespmem:s2+$0x6800]  }
0x139: {  	s2 =	sadd.s32 @!p0 s22, s18  }
0x13a: {  	s19 =	smulhi.u32 @!p0 $0x38E38E39, s2  }
0x13b: {  	[tilespmem:v4+s14+$0x0] =	vst.idx.add.f32.msk $0xffff, v7  }
0x13c: {  	[tilespmem:v5+s14+$0x0] =	vst.idx.add.f32.msk $0xffff, v8;
	s19 =	sshrl.u32 @!p0 s19, $0x4  }
0x13d: {  	s19 =	smul.u32 @!p0 $0x48, s19;
	[tilespmem:v6+s14+$0x0] =	vst.idx.add.f32.msk $0xffff, v9  }
0x13e: {  	_ =	swait.ge [sflag:s16], $0x800  }
0x13f: {  	s2 =	ssub.s32 @!p0 s2, s19;
	[sflag:s16] =	ssyncset.done $0x0  }
0x140: {  	s23 =	simm.s32 @!p0 $0x1000;
	s2 =	sshll.u32 @!p0 s2, $0xB;
	[sflag:s16] =	ssyncadd.s32 $0xFFFFF800  }
0x141: {  	s22 =	simm.s32 @!p0 $0x0;
	s19 =	sadd.s32 @!p0 s3, s2;
	_ =	swait.ge [sflag:s16], $0x6000  }
0x142: {  	s2 =	sadd.s32 @!p0 s6, s2;
	s19 =	sshrl.u32 @!p0 s19, $0x3;
	[sflag:s16] =	ssyncset.done $0x0  }
0x143: {  	s2 =	sshrl.u32 @!p0 s2, $0x3;
	s19 =	sadd.s32 @!p0 s5, s19;
	[sflag:s16] =	ssyncadd.s32 $0xFFFFA000  }
0x144: {  	[tilespmem:s22], [sflag:$0x1] =	stream.linear.gather @!p0 [hbm4b:s19+s22], $0x800, $0x38;
	[tilespmem:$0x1A000] =	vst v63  }
0x145: {  	s2 =	sadd.s32 @!p0 s4, s2;
	s19 =	simm.s32 @!p0 $0x800;
	s22 =	simm.s32 @!p0 $0x24000  }
0x146: {  	[tilespmem:s23], [sflag:$0x1] =	stream.strided.gather @!p0 [hbm4b:s2+s19], $0x6000, s22, s19, $0x38;
	[tilespmem:$0x1A000] =	vst v63  }
0x147: {  	s22 =	simm.s32 $0x0  }
0x148: {  	v4 =	vld [tilespmem:s22+$0x810];
	_ =	sdelay $0x4  }
0x149: {  	v4 =	vshll.u32 v4, $0x2  }
0x14a: {  	v7 =	vor.u32 v1, v4;
	_ =	sdelay $0x2  }
0x14b: {  	v4 =	vld [tilespmem:s22+$0x800];
	_ =	sdelay $0x1  }
0x14c: {  	[tilespmem:v7+s30+$0x0] =	vst.idx.add.f32.msk $0xffff, v2  }
0x14d: {  	v5 =	vld [tilespmem:s22+$0x7010];
	_ =	sdelay $0x1  }
0x14e: {  	v4 =	vshll.u32 v4, $0x2  }
0x14f: {  	v4 =	vor.u32 v1, v4;
	_ =	sdelay $0x1  }
0x150: {  	[tilespmem:v7+s31+$0x0] =	vst.idx.add.f32.msk $0xffff, v5  }
0x151: {  	v5 =	vld [tilespmem:s22+$0x7810];
	_ =	sdelay $0x1  }
0x152: {  	[tilespmem:v4+s30+$0x0] =	vst.idx.add.f32.msk $0xffff, v2  }
0x153: {  	v6 =	vld [tilespmem:s22+$0x7000];
	_ =	sdelay $0x1  }
0x154: {  	[tilespmem:v7+s1+$0x0] =	vst.idx.add.f32.msk $0xffff, v5  }
0x155: {  	v5 =	vld [tilespmem:s22+$0x8010];
	_ =	sdelay $0x1  }
0x156: {  	[tilespmem:v4+s31+$0x0] =	vst.idx.add.f32.msk $0xffff, v6  }
0x157: {  	v6 =	vld [tilespmem:s22+$0x7800];
	_ =	sdelay $0x1  }
0x158: {  	[tilespmem:v7+s0+$0x0] =	vst.idx.add.f32.msk $0xffff, v5  }
0x159: {  	v5 =	vld [tilespmem:s22+$0x8810];
	_ =	sdelay $0x1  }
0x15a: {  	[tilespmem:v4+s1+$0x0] =	vst.idx.add.f32.msk $0xffff, v6  }
0x15b: {  	v6 =	vld [tilespmem:s22+$0x8000];
	_ =	sdelay $0x1  }
0x15c: {  	[tilespmem:v7+s26+$0x0] =	vst.idx.add.f32.msk $0xffff, v5  }
0x15d: {  	v5 =	vld [tilespmem:s22+$0x9010];
	_ =	sdelay $0x1  }
0x15e: {  	[tilespmem:v4+s0+$0x0] =	vst.idx.add.f32.msk $0xffff, v6  }
0x15f: {  	v6 =	vld [tilespmem:s22+$0x8800];
	_ =	sdelay $0x1  }
0x160: {  	[tilespmem:v7+s7+$0x0] =	vst.idx.add.f32.msk $0xffff, v5  }
0x161: {  	v5 =	vld [tilespmem:s22+$0x9810];
	_ =	sdelay $0x1  }
0x162: {  	[tilespmem:v4+s26+$0x0] =	vst.idx.add.f32.msk $0xffff, v6  }
0x163: {  	v6 =	vld [tilespmem:s22+$0x9000];
	_ =	sdelay $0x1  }
0x164: {  	[tilespmem:v7+s8+$0x0] =	vst.idx.add.f32.msk $0xffff, v5  }
0x165: {  	v5 =	vld [tilespmem:s22+$0xA010];
	_ =	sdelay $0x1  }
0x166: {  	[tilespmem:v4+s7+$0x0] =	vst.idx.add.f32.msk $0xffff, v6  }
0x167: {  	s2 =	simm.s32 $0x20;
	v6 =	vld [tilespmem:s22+$0x9800]  }
0x168: {  	v8 =	vld [tilespmem:s2+$0x810]  }
0x169: {  	[tilespmem:v7+s9+$0x0] =	vst.idx.add.f32.msk $0xffff, v5  }
0x16a: {  	v5 =	vld [tilespmem:s22+$0xA810]  }
0x16b: {  	v9 =	vld [tilespmem:s2+$0x800]  }
0x16c: {  	[tilespmem:v4+s8+$0x0] =	vst.idx.add.f32.msk $0xffff, v6  }
0x16d: {  	v6 =	vshll.u32 v8, $0x2;
	v10 =	vld [tilespmem:s22+$0xA000]  }
0x16e: {  	v6 =	vor.u32 v1, v6  }
0x16f: {  	[tilespmem:v7+s10+$0x0] =	vst.idx.add.f32.msk $0xffff, v5  }
0x170: {  	v5 =	vshll.u32 v9, $0x2;
	v8 =	vld [tilespmem:s22+$0xB010]  }
0x171: {  	v5 =	vor.u32 v1, v5  }
0x172: {  	[tilespmem:v4+s9+$0x0] =	vst.idx.add.f32.msk $0xffff, v10  }
0x173: {  	[tilespmem:v6+s30+$0x0] =	vst.idx.add.f32.msk $0xffff, v2  }
0x174: {  	v9 =	vld [tilespmem:s2+$0x7010]  }
0x175: {  	[tilespmem:v7+s11+$0x0] =	vst.idx.add.f32.msk $0xffff, v8  }
0x176: {  	[tilespmem:v5+s30+$0x0] =	vst.idx.add.f32.msk $0xffff, v2  }
0x177: {  	v8 =	vld [tilespmem:s22+$0xB810]  }
0x178: {  	v10 =	vld [tilespmem:s2+$0x7000];
	_ =	sdelay $0x1  }
0x179: {  	[tilespmem:v6+s31+$0x0] =	vst.idx.add.f32.msk $0xffff, v9  }
0x17a: {  	v9 =	vld [tilespmem:s2+$0x7810]  }
0x17b: {  	[tilespmem:v7+s12+$0x0] =	vst.idx.add.f32.msk $0xffff, v8  }
0x17c: {  	[tilespmem:v5+s31+$0x0] =	vst.idx.add.f32.msk $0xffff, v10  }
0x17d: {  	v8 =	vld [tilespmem:s22+$0xC010]  }
0x17e: {  	v10 =	vld [tilespmem:s2+$0x7800];
	_ =	sdelay $0x1  }
0x17f: {  	[tilespmem:v6+s1+$0x0] =	vst.idx.add.f32.msk $0xffff, v9  }
0x180: {  	v9 =	vld [tilespmem:s2+$0x8010]  }
0x181: {  	[tilespmem:v7+s13+$0x0] =	vst.idx.add.f32.msk $0xffff, v8  }
0x182: {  	[tilespmem:v5+s1+$0x0] =	vst.idx.add.f32.msk $0xffff, v10  }
0x183: {  	v8 =	vld [tilespmem:s22+$0xC810]  }
0x184: {  	v10 =	vld [tilespmem:s2+$0x8000]  }
0x185: {  	[tilespmem:v6+s0+$0x0] =	vst.idx.add.f32.msk $0xffff, v9  }
0x186: {  	v9 =	vld [tilespmem:s2+$0x8810]  }
0x187: {  	v11 =	vld [tilespmem:s22+$0xA800]  }
0x188: {  	[tilespmem:v7+s14+$0x0] =	vst.idx.add.f32.msk $0xffff, v8  }
0x189: {  	[tilespmem:v5+s0+$0x0] =	vst.idx.add.f32.msk $0xffff, v10  }
0x18a: {  	v7 =	vld [tilespmem:s2+$0x8800]  }
0x18b: {  	[tilespmem:v6+s26+$0x0] =	vst.idx.add.f32.msk $0xffff, v9  }
0x18c: {  	v8 =	vld [tilespmem:s2+$0x9010]  }
0x18d: {  	[tilespmem:v4+s10+$0x0] =	vst.idx.add.f32.msk $0xffff, v11  }
0x18e: {  	v9 =	vld [tilespmem:s22+$0xB000]  }
0x18f: {  	[tilespmem:v5+s26+$0x0] =	vst.idx.add.f32.msk $0xffff, v7  }
0x190: {  	v7 =	vld [tilespmem:s2+$0x9000]  }
0x191: {  	[tilespmem:v6+s7+$0x0] =	vst.idx.add.f32.msk $0xffff, v8  }
0x192: {  	v8 =	vld [tilespmem:s2+$0x9810]  }
0x193: {  	[tilespmem:v4+s11+$0x0] =	vst.idx.add.f32.msk $0xffff, v9  }
0x194: {  	v10 =	vld [tilespmem:s22+$0xB800]  }
0x195: {  	[tilespmem:v5+s7+$0x0] =	vst.idx.add.f32.msk $0xffff, v7  }
0x196: {  	v9 =	vld [tilespmem:s2+$0x9800]  }
0x197: {  	[tilespmem:v6+s8+$0x0] =	vst.idx.add.f32.msk $0xffff, v8  }
0x198: {  	v8 =	vld [tilespmem:s2+$0xA010]  }
0x199: {  	[tilespmem:v4+s12+$0x0] =	vst.idx.add.f32.msk $0xffff, v10  }
0x19a: {  	s19 =	simm.s32 $0x2;
	s23 =	simm.s32 $0x100;
	v7 =	vld [tilespmem:s22+$0xC000]  }
.LBB2_7:
0x19b: {  	s25 =	sshra.s32 s23, $0x2;
	s19 =	sadd.s32 $0x2, s19;
	[tilespmem:v5+s8+$0x0] =	vst.idx.add.f32.msk $0xffff, v9  }
0x19c: {  	v9 =	vld [tilespmem:s25+$0x810];
	p0 =	slt.u32 s19, $0x7E  }
0x19d: {  	[tilespmem:v6+s9+$0x0] =	vst.idx.add.f32.msk $0xffff, v8  }
0x19e: {  	v8 =	vld [tilespmem:s2+$0xA810]  }
0x19f: {  	v10 =	vld [tilespmem:s25+$0x800]  }
0x1a0: {  	v11 =	vld [tilespmem:s2+$0xA000]  }
0x1a1: {  	v9 =	vshll.u32 v9, $0x2;
	[tilespmem:v4+s13+$0x0] =	vst.idx.add.f32.msk $0xffff, v7  }
0x1a2: {  	v7 =	vor.u32 v1, v9;
	v9 =	vld [tilespmem:s22+$0xC800];
	s22 =	smov.u32 s2;
	s2 =	smov.u32 s25  }
0x1a3: {  	[tilespmem:v6+s10+$0x0] =	vst.idx.add.f32.msk $0xffff, v8  }
0x1a4: {  	v8 =	vshll.u32 v10, $0x2;
	v10 =	vld [tilespmem:s22+$0xB010]  }
0x1a5: {  	v8 =	vor.u32 v1, v8;
	[tilespmem:v5+s9+$0x0] =	vst.idx.add.f32.msk $0xffff, v11  }
0x1a6: {  	v11 =	vld [tilespmem:s22+$0xA800]  }
0x1a7: {  	[tilespmem:v7+s30+$0x0] =	vst.idx.add.f32.msk $0xffff, v2  }
0x1a8: {  	v12 =	vld [tilespmem:s2+$0x7010]  }
0x1a9: {  	[tilespmem:v6+s11+$0x0] =	vst.idx.add.f32.msk $0xffff, v10  }
0x1aa: {  	v10 =	vld [tilespmem:s22+$0xB810]  }
0x1ab: {  	[tilespmem:v8+s30+$0x0] =	vst.idx.add.f32.msk $0xffff, v2  }
0x1ac: {  	v13 =	vld [tilespmem:s2+$0x7000]  }
0x1ad: {  	[tilespmem:v7+s31+$0x0] =	vst.idx.add.f32.msk $0xffff, v12  }
0x1ae: {  	v12 =	vld [tilespmem:s2+$0x7810]  }
0x1af: {  	[tilespmem:v6+s12+$0x0] =	vst.idx.add.f32.msk $0xffff, v10  }
0x1b0: {  	v10 =	vld [tilespmem:s22+$0xC010]  }
0x1b1: {  	[tilespmem:v8+s31+$0x0] =	vst.idx.add.f32.msk $0xffff, v13  }
0x1b2: {  	v13 =	vld [tilespmem:s2+$0x7800]  }
0x1b3: {  	[tilespmem:v7+s1+$0x0] =	vst.idx.add.f32.msk $0xffff, v12  }
0x1b4: {  	v12 =	vld [tilespmem:s2+$0x8010]  }
0x1b5: {  	[tilespmem:v6+s13+$0x0] =	vst.idx.add.f32.msk $0xffff, v10  }
0x1b6: {  	v10 =	vld [tilespmem:s22+$0xC810]  }
0x1b7: {  	[tilespmem:v8+s1+$0x0] =	vst.idx.add.f32.msk $0xffff, v13  }
0x1b8: {  	v13 =	vld [tilespmem:s2+$0x8000]  }
0x1b9: {  	[tilespmem:v7+s0+$0x0] =	vst.idx.add.f32.msk $0xffff, v12  }
0x1ba: {  	v12 =	vld [tilespmem:s2+$0x8810]  }
0x1bb: {  	[tilespmem:v6+s14+$0x0] =	vst.idx.add.f32.msk $0xffff, v10;
	v6 =	vmov v7  }
0x1bc: {  	[tilespmem:v5+s10+$0x0] =	vst.idx.add.f32.msk $0xffff, v11  }
0x1bd: {  	[tilespmem:v8+s0+$0x0] =	vst.idx.add.f32.msk $0xffff, v13  }
0x1be: {  	v10 =	vld [tilespmem:s2+$0x8800]  }
0x1bf: {  	[tilespmem:v7+s26+$0x0] =	vst.idx.add.f32.msk $0xffff, v12  }
0x1c0: {  	v7 =	vld [tilespmem:s2+$0x9010]  }
0x1c1: {  	v11 =	vld [tilespmem:s22+$0xB000]  }
0x1c2: {  	[tilespmem:v4+s14+$0x0] =	vst.idx.add.f32.msk $0xffff, v9;
	v4 =	vmov v5;
	v5 =	vmov v8  }
0x1c3: {  	[tilespmem:v8+s26+$0x0] =	vst.idx.add.f32.msk $0xffff, v10  }
0x1c4: {  	v8 =	vld [tilespmem:s2+$0x9000]  }
0x1c5: {  	[tilespmem:v6+s7+$0x0] =	vst.idx.add.f32.msk $0xffff, v7  }
0x1c6: {  	v7 =	vld [tilespmem:s2+$0x9810]  }
0x1c7: {  	[tilespmem:v4+s11+$0x0] =	vst.idx.add.f32.msk $0xffff, v11  }
0x1c8: {  	v10 =	vld [tilespmem:s22+$0xB800]  }
0x1c9: {  	[tilespmem:v5+s7+$0x0] =	vst.idx.add.f32.msk $0xffff, v8  }
.Ltmp2:
0x1ca: {  	v9 =	vld [tilespmem:s2+$0x9800];
	(pc) =	sbr.rel @p0 .LBB2_7-.Ltmp2, $4  }
0x1cb: {  	[tilespmem:v6+s8+$0x0] =	vst.idx.add.f32.msk $0xffff, v7  }
0x1cc: {  	v8 =	vld [tilespmem:s2+$0xA010]  }
0x1cd: {  	[tilespmem:v4+s12+$0x0] =	vst.idx.add.f32.msk $0xffff, v10  }
0x1ce: {  	s23 =	sadd.s32 $0x80, s23;
	v7 =	vld [tilespmem:s22+$0xC000]  }
0x1cf: {  	_ =	sdelay $0x3  }
0x1d0: {  	[tilespmem:v5+s8+$0x0] =	vst.idx.add.f32.msk $0xffff, v9  }
0x1d1: {  	v9 =	vld [tilespmem:s2+$0xA000];
	_ =	sdelay $0x2  }
0x1d2: {  	[tilespmem:v6+s9+$0x0] =	vst.idx.add.f32.msk $0xffff, v8  }
0x1d3: {  	v8 =	vld [tilespmem:s2+$0xA810]  }
0x1d4: {  	[tilespmem:v5+s9+$0x0] =	vst.idx.add.f32.msk $0xffff, v9  }
0x1d5: {  	v9 =	vld [tilespmem:s2+$0xA800];
	_ =	sdelay $0x2  }
0x1d6: {  	[tilespmem:v6+s10+$0x0] =	vst.idx.add.f32.msk $0xffff, v8  }
0x1d7: {  	v8 =	vld [tilespmem:s2+$0xB010]  }
0x1d8: {  	[tilespmem:v5+s10+$0x0] =	vst.idx.add.f32.msk $0xffff, v9  }
0x1d9: {  	v9 =	vld [tilespmem:s2+$0xB000];
	_ =	sdelay $0x2  }
0x1da: {  	[tilespmem:v6+s11+$0x0] =	vst.idx.add.f32.msk $0xffff, v8  }
0x1db: {  	v8 =	vld [tilespmem:s2+$0xB810]  }
0x1dc: {  	[tilespmem:v5+s11+$0x0] =	vst.idx.add.f32.msk $0xffff, v9  }
0x1dd: {  	v9 =	vld [tilespmem:s2+$0xB800];
	_ =	sdelay $0x2  }
0x1de: {  	[tilespmem:v6+s12+$0x0] =	vst.idx.add.f32.msk $0xffff, v8  }
0x1df: {  	v8 =	vld [tilespmem:s2+$0xC010]  }
0x1e0: {  	[tilespmem:v5+s12+$0x0] =	vst.idx.add.f32.msk $0xffff, v9  }
0x1e1: {  	v9 =	vld [tilespmem:s2+$0xC000]  }
0x1e2: {  	[tilespmem:v4+s13+$0x0] =	vst.idx.add.f32.msk $0xffff, v7  }
0x1e3: {  	v7 =	vld [tilespmem:s22+$0xC800]  }
0x1e4: {  	[tilespmem:v6+s13+$0x0] =	vst.idx.add.f32.msk $0xffff, v8  }
0x1e5: {  	v8 =	vld [tilespmem:s2+$0xC810]  }
0x1e6: {  	s21 =	sadd.s32 $0x1, s21;
	[tilespmem:v5+s13+$0x0] =	vst.idx.add.f32.msk $0xffff, v9  }
0x1e7: {  	p0 =	sne.s32 s21, $0x24;
	v9 =	vld [tilespmem:s2+$0xC800]  }
.Ltmp3:
0x1e8: {  	_ = 	snop;
	(pc) =	sbr.rel @p0 .LBB2_4-.Ltmp3, $4  }
0x1e9: {  	_ = 	snop  }
0x1ea: {  	[tilespmem:v4+s14+$0x0] =	vst.idx.add.f32.msk $0xffff, v7  }
0x1eb: {  	[tilespmem:v6+s14+$0x0] =	vst.idx.add.f32.msk $0xffff, v8  }
0x1ec: {  	[tilespmem:v5+s14+$0x0] =	vst.idx.add.f32.msk $0xffff, v9  }
0x1ed: {  	s20 =	simm.s32 $0x0  }
0x1ee: {  	v4 =	vmov s20  }
0x1ef: {  	v4 =	vshll.u32 v4, $0x2  }
0x1f0: {  	v6 =	vor.u32 v3, v4  }
0x1f1: {  	v7 =	vor.u32 $0x1, v6;
	_ =	sdelay $0x1  }
0x1f2: {  	v8 =	vor.u32 $0x2, v6;
	_ =	sdelay $0x1  }
0x1f3: {  	v4 =	vor.u32 $0x3, v6;
	v9 =	vld.idx.msk [tilespmem:v6+s30+$0x0], $0xffff  }
0x1f4: {  	v5 =	vld.idx.msk [tilespmem:v7+s30+$0x0], $0xffff;
	_ =	sdelay $0x1  }
0x1f5: {  	v10 =	vld.idx.msk [tilespmem:v8+s30+$0x0], $0xffff;
	_ =	sdelay $0x1  }
0x1f6: {  	v11 =	vld.idx.msk [tilespmem:v4+s30+$0x0], $0xffff  }
0x1f7: {  	v5 =	vadd.f32 v5, v9;
	_ =	sdelay $0x1  }
0x1f8: {  	v5 =	vadd.f32 v10, v5;
	_ =	sdelay $0x1  }
0x1f9: {  	v9 =	vld.idx.msk [tilespmem:v7+s31+$0x0], $0xffff;
	v5 =	vadd.f32 v11, v5  }
0x1fa: {  	v10 =	vld.idx.msk [tilespmem:v6+s31+$0x0], $0xffff  }
0x1fb: {  	v5 =	vmax.f32 v5, $1.000000000e+00  }
0x1fc: {  	(erf) = vrcp.f32 v5;
	v5 =	vld.idx.msk [tilespmem:v8+s31+$0x0], $0xffff;
	_ =	sdelay $0x2  }
0x1fd: {  	v11 =	vld.idx.msk [tilespmem:v4+s31+$0x0], $0xffff;
	v9 =	vadd.f32 v9, v10;
	_ =	sdelay $0x1  }
0x1fe: {  	v5 =	vadd.f32 v5, v9;
	_ =	sdelay $0x2  }
0x1ff: {  	v9 =	vadd.f32 v11, v5  }
0x200: {  	v5 =	vpop (erf)  }
0x201: {  	v9 =	vmul.f32 v9, v5  }
0x202: {  	s21 =	simm.s32 $0x0  }
0x203: {  	[tilespmem:s21+$0xD000] =	vst v9  }
0x204: {  	v9 =	vld.idx.msk [tilespmem:v6+s1+$0x0], $0xffff  }
0x205: {  	v10 =	vld.idx.msk [tilespmem:v7+s1+$0x0], $0xffff;
	_ =	sdelay $0x1  }
0x206: {  	v11 =	vld.idx.msk [tilespmem:v8+s1+$0x0], $0xffff;
	_ =	sdelay $0x1  }
0x207: {  	v12 =	vld.idx.msk [tilespmem:v4+s1+$0x0], $0xffff  }
0x208: {  	v9 =	vadd.f32 v10, v9;
	_ =	sdelay $0x1  }
0x209: {  	v9 =	vadd.f32 v11, v9;
	_ =	sdelay $0x1  }
0x20a: {  	v9 =	vadd.f32 v12, v9;
	_ =	sdelay $0x1  }
0x20b: {  	v9 =	vmul.f32 v9, v5;
	_ =	sdelay $0x1  }
0x20c: {  	[tilespmem:s21+$0xE000] =	vst v9  }
0x20d: {  	v9 =	vld.idx.msk [tilespmem:v6+s0+$0x0], $0xffff  }
0x20e: {  	v10 =	vld.idx.msk [tilespmem:v7+s0+$0x0], $0xffff;
	_ =	sdelay $0x1  }
0x20f: {  	v11 =	vld.idx.msk [tilespmem:v8+s0+$0x0], $0xffff;
	_ =	sdelay $0x1  }
0x210: {  	v55 =	vld.idx.msk [tilespmem:v4+s0+$0x0], $0xffff  }
0x211: {  	v9 =	vadd.f32 v10, v9;
	_ =	sdelay $0x1  }
0x212: {  	v9 =	vadd.f32 v11, v9;
	_ =	sdelay $0x1  }
0x213: {  	v9 =	vadd.f32 v55, v9;
	_ =	sdelay $0x1  }
0x214: {  	v9 =	vmul.f32 v9, v5;
	_ =	sdelay $0x1  }
0x215: {  	[tilespmem:s21+$0xF000] =	vst v9  }
0x216: {  	v9 =	vld.idx.msk [tilespmem:v6+s26+$0x0], $0xffff  }
0x217: {  	v10 =	vld.idx.msk [tilespmem:v7+s26+$0x0], $0xffff;
	_ =	sdelay $0x1  }
0x218: {  	v11 =	vld.idx.msk [tilespmem:v8+s26+$0x0], $0xffff;
	_ =	sdelay $0x1  }
0x219: {  	v56 =	vld.idx.msk [tilespmem:v4+s26+$0x0], $0xffff  }
0x21a: {  	v9 =	vadd.f32 v10, v9;
	_ =	sdelay $0x1  }
0x21b: {  	v9 =	vadd.f32 v11, v9;
	_ =	sdelay $0x1  }
0x21c: {  	v9 =	vadd.f32 v56, v9;
	_ =	sdelay $0x1  }
0x21d: {  	v9 =	vmul.f32 v9, v5;
	_ =	sdelay $0x1  }
0x21e: {  	[tilespmem:s21+$0x10000] =	vst v9  }
0x21f: {  	v9 =	vld.idx.msk [tilespmem:v6+s7+$0x0], $0xffff  }
0x220: {  	v10 =	vld.idx.msk [tilespmem:v7+s7+$0x0], $0xffff;
	_ =	sdelay $0x1  }
0x221: {  	v11 =	vld.idx.msk [tilespmem:v8+s7+$0x0], $0xffff;
	_ =	sdelay $0x1  }
0x222: {  	v57 =	vld.idx.msk [tilespmem:v4+s7+$0x0], $0xffff  }
0x223: {  	v9 =	vadd.f32 v10, v9;
	_ =	sdelay $0x1  }
0x224: {  	v9 =	vadd.f32 v11, v9;
	_ =	sdelay $0x1  }
0x225: {  	v9 =	vadd.f32 v57, v9;
	_ =	sdelay $0x1  }
0x226: {  	v9 =	vmul.f32 v9, v5;
	_ =	sdelay $0x1  }
0x227: {  	[tilespmem:s21+$0x11000] =	vst v9  }
0x228: {  	v9 =	vld.idx.msk [tilespmem:v6+s8+$0x0], $0xffff  }
0x229: {  	v10 =	vld.idx.msk [tilespmem:v7+s8+$0x0], $0xffff;
	_ =	sdelay $0x1  }
0x22a: {  	v11 =	vld.idx.msk [tilespmem:v8+s8+$0x0], $0xffff;
	_ =	sdelay $0x1  }
0x22b: {  	v58 =	vld.idx.msk [tilespmem:v4+s8+$0x0], $0xffff  }
0x22c: {  	v9 =	vadd.f32 v10, v9;
	_ =	sdelay $0x1  }
0x22d: {  	v9 =	vadd.f32 v11, v9;
	_ =	sdelay $0x1  }
0x22e: {  	v9 =	vadd.f32 v58, v9;
	_ =	sdelay $0x1  }
0x22f: {  	v9 =	vmul.f32 v9, v5;
	_ =	sdelay $0x1  }
0x230: {  	[tilespmem:s21+$0x12000] =	vst v9  }
0x231: {  	v9 =	vld.idx.msk [tilespmem:v6+s9+$0x0], $0xffff  }
0x232: {  	v10 =	vld.idx.msk [tilespmem:v7+s9+$0x0], $0xffff;
	_ =	sdelay $0x1  }
0x233: {  	v11 =	vld.idx.msk [tilespmem:v8+s9+$0x0], $0xffff;
	_ =	sdelay $0x1  }
0x234: {  	v59 =	vld.idx.msk [tilespmem:v4+s9+$0x0], $0xffff  }
0x235: {  	v9 =	vadd.f32 v10, v9;
	_ =	sdelay $0x1  }
0x236: {  	v9 =	vadd.f32 v11, v9;
	_ =	sdelay $0x1  }
0x237: {  	v9 =	vadd.f32 v59, v9;
	_ =	sdelay $0x1  }
0x238: {  	v9 =	vmul.f32 v9, v5;
	_ =	sdelay $0x1  }
0x239: {  	[tilespmem:s21+$0x13000] =	vst v9  }
0x23a: {  	v9 =	vld.idx.msk [tilespmem:v6+s10+$0x0], $0xffff  }
0x23b: {  	v10 =	vld.idx.msk [tilespmem:v7+s10+$0x0], $0xffff;
	_ =	sdelay $0x1  }
0x23c: {  	v11 =	vld.idx.msk [tilespmem:v8+s10+$0x0], $0xffff;
	_ =	sdelay $0x1  }
0x23d: {  	v60 =	vld.idx.msk [tilespmem:v4+s10+$0x0], $0xffff  }
0x23e: {  	v9 =	vadd.f32 v10, v9;
	_ =	sdelay $0x1  }
0x23f: {  	v9 =	vadd.f32 v11, v9;
	_ =	sdelay $0x1  }
0x240: {  	v9 =	vadd.f32 v60, v9;
	_ =	sdelay $0x1  }
0x241: {  	v9 =	vmul.f32 v9, v5;
	_ =	sdelay $0x1  }
0x242: {  	[tilespmem:s21+$0x14000] =	vst v9  }
0x243: {  	v9 =	vld.idx.msk [tilespmem:v6+s11+$0x0], $0xffff  }
0x244: {  	v10 =	vld.idx.msk [tilespmem:v7+s11+$0x0], $0xffff;
	_ =	sdelay $0x1  }
0x245: {  	v11 =	vld.idx.msk [tilespmem:v8+s11+$0x0], $0xffff;
	_ =	sdelay $0x1  }
0x246: {  	v61 =	vld.idx.msk [tilespmem:v4+s11+$0x0], $0xffff  }
0x247: {  	v9 =	vadd.f32 v10, v9;
	_ =	sdelay $0x1  }
0x248: {  	v9 =	vadd.f32 v11, v9;
	_ =	sdelay $0x1  }
0x249: {  	v9 =	vadd.f32 v61, v9;
	_ =	sdelay $0x1  }
0x24a: {  	v9 =	vmul.f32 v9, v5;
	_ =	sdelay $0x1  }
0x24b: {  	[tilespmem:s21+$0x15000] =	vst v9  }
0x24c: {  	v9 =	vld.idx.msk [tilespmem:v6+s12+$0x0], $0xffff  }
0x24d: {  	v10 =	vld.idx.msk [tilespmem:v7+s12+$0x0], $0xffff;
	_ =	sdelay $0x1  }
0x24e: {  	v11 =	vld.idx.msk [tilespmem:v8+s12+$0x0], $0xffff;
	_ =	sdelay $0x1  }
0x24f: {  	v62 =	vld.idx.msk [tilespmem:v4+s12+$0x0], $0xffff  }
0x250: {  	v9 =	vadd.f32 v10, v9;
	_ =	sdelay $0x1  }
0x251: {  	v9 =	vadd.f32 v11, v9;
	_ =	sdelay $0x1  }
0x252: {  	v9 =	vadd.f32 v62, v9;
	_ =	sdelay $0x1  }
0x253: {  	v9 =	vmul.f32 v9, v5;
	_ =	sdelay $0x1  }
0x254: {  	[tilespmem:s21+$0x16000] =	vst v9  }
0x255: {  	v9 =	vld.idx.msk [tilespmem:v6+s13+$0x0], $0xffff  }
0x256: {  	v10 =	vld.idx.msk [tilespmem:v7+s13+$0x0], $0xffff;
	_ =	sdelay $0x1  }
0x257: {  	v11 =	vld.idx.msk [tilespmem:v8+s13+$0x0], $0xffff;
	_ =	sdelay $0x1  }
0x258: {  	v63 =	vld.idx.msk [tilespmem:v4+s13+$0x0], $0xffff  }
0x259: {  	v9 =	vadd.f32 v10, v9;
	_ =	sdelay $0x1  }
0x25a: {  	v9 =	vadd.f32 v11, v9;
	_ =	sdelay $0x1  }
0x25b: {  	v9 =	vadd.f32 v63, v9;
	_ =	sdelay $0x1  }
0x25c: {  	v9 =	vmul.f32 v9, v5;
	_ =	sdelay $0x1  }
0x25d: {  	[tilespmem:s21+$0x17000] =	vst v9  }
0x25e: {  	v6 =	vld.idx.msk [tilespmem:v6+s14+$0x0], $0xffff  }
0x25f: {  	v9 =	vld.idx.msk [tilespmem:v7+s14+$0x0], $0xffff  }
0x260: {  	s22 =	simm.s32 $0x40;
	v7 =	vld.idx.msk [tilespmem:v8+s14+$0x0], $0xffff  }
.LBB2_10:
0x261: {  	p0 =	sne.s32 s22, $0xFC0  }
0x262: {  	v8 =	vld.idx.msk [tilespmem:v4+s14+$0x0], $0xffff;
	s20 =	sadd.s32 $0x10, s20;
	s2 =	smov.u32 s22;
	s22 =	sadd.s32 $0x40, s22  }
0x263: {  	_ =	sdelay $0x2  }
0x264: {  	v4 =	vadd.f32 v9, v6  }
0x265: {  	v6 =	vmov s20  }
0x266: {  	v6 =	vshll.u32 v6, $0x2;
	v9 =	vadd.f32 v7, v4  }
0x267: {  	v6 =	vor.u32 v3, v6  }
0x268: {  	v7 =	vor.u32 $0x1, v6;
	v4 =	vor.u32 $0x3, v6;
	v9 =	vadd.f32 v8, v9;
	_ =	sdelay $0x1  }
0x269: {  	v8 =	vor.u32 $0x2, v6;
	v5 =	vmul.f32 v9, v5;
	_ =	sdelay $0x1  }
0x26a: {  	[tilespmem:s21+$0x18000] =	vst v5  }
0x26b: {  	v5 =	vld.idx.msk [tilespmem:v7+s30+$0x0], $0xffff  }
0x26c: {  	v9 =	vld.idx.msk [tilespmem:v6+s30+$0x0], $0xffff  }
0x26d: {  	v10 =	vld.idx.msk [tilespmem:v8+s30+$0x0], $0xffff;
	_ =	sdelay $0x1  }
0x26e: {  	v11 =	vld.idx.msk [tilespmem:v4+s30+$0x0], $0xffff;
	_ =	sdelay $0x2  }
0x26f: {  	v5 =	vadd.f32 v5, v9;
	_ =	sdelay $0x1  }
0x270: {  	v5 =	vadd.f32 v10, v5;
	_ =	sdelay $0x1  }
0x271: {  	v5 =	vadd.f32 v11, v5;
	v9 =	vld.idx.msk [tilespmem:v7+s31+$0x0], $0xffff  }
0x272: {  	v10 =	vld.idx.msk [tilespmem:v6+s31+$0x0], $0xffff  }
0x273: {  	v5 =	vmax.f32 v5, $1.000000000e+00  }
0x274: {  	v11 =	vld.idx.msk [tilespmem:v8+s31+$0x0], $0xffff;
	(erf) = vrcp.f32 v5;
	_ =	sdelay $0x1  }
0x275: {  	v5 =	vld.idx.msk [tilespmem:v4+s31+$0x0], $0xffff;
	_ =	sdelay $0x1  }
0x276: {  	v9 =	vadd.f32 v9, v10;
	_ =	sdelay $0x1  }
0x277: {  	v9 =	vadd.f32 v11, v9;
	_ =	sdelay $0x1  }
0x278: {  	v9 =	vadd.f32 v5, v9  }
0x279: {  	v5 =	vpop (erf)  }
0x27a: {  	v9 =	vmul.f32 v9, v5  }
0x27b: {  	s21 =	sshra.s32 s2, $0x2  }
0x27c: {  	[tilespmem:s21+$0xD000] =	vst v9  }
0x27d: {  	v9 =	vld.idx.msk [tilespmem:v6+s1+$0x0], $0xffff  }
0x27e: {  	v10 =	vld.idx.msk [tilespmem:v7+s1+$0x0], $0xffff;
	_ =	sdelay $0x1  }
0x27f: {  	v11 =	vld.idx.msk [tilespmem:v8+s1+$0x0], $0xffff;
	_ =	sdelay $0x1  }
0x280: {  	v12 =	vld.idx.msk [tilespmem:v4+s1+$0x0], $0xffff;
	_ =	sdelay $0x1  }
0x281: {  	v9 =	vadd.f32 v10, v9;
	_ =	sdelay $0x1  }
0x282: {  	v9 =	vadd.f32 v11, v9;
	_ =	sdelay $0x1  }
0x283: {  	v9 =	vadd.f32 v12, v9;
	_ =	sdelay $0x1  }
0x284: {  	v9 =	vmul.f32 v9, v5;
	_ =	sdelay $0x1  }
0x285: {  	[tilespmem:s21+$0xE000] =	vst v9  }
0x286: {  	v9 =	vld.idx.msk [tilespmem:v6+s0+$0x0], $0xffff  }
0x287: {  	v10 =	vld.idx.msk [tilespmem:v7+s0+$0x0], $0xffff;
	_ =	sdelay $0x1  }
0x288: {  	v11 =	vld.idx.msk [tilespmem:v8+s0+$0x0], $0xffff;
	_ =	sdelay $0x1  }
0x289: {  	v12 =	vld.idx.msk [tilespmem:v4+s0+$0x0], $0xffff;
	_ =	sdelay $0x1  }
0x28a: {  	v9 =	vadd.f32 v10, v9;
	_ =	sdelay $0x1  }
0x28b: {  	v9 =	vadd.f32 v11, v9;
	_ =	sdelay $0x1  }
0x28c: {  	v9 =	vadd.f32 v12, v9;
	_ =	sdelay $0x1  }
0x28d: {  	v9 =	vmul.f32 v9, v5;
	_ =	sdelay $0x1  }
0x28e: {  	[tilespmem:s21+$0xF000] =	vst v9  }
0x28f: {  	v9 =	vld.idx.msk [tilespmem:v6+s26+$0x0], $0xffff  }
0x290: {  	v10 =	vld.idx.msk [tilespmem:v7+s26+$0x0], $0xffff  }
0x291: {  	v11 =	vld.idx.msk [tilespmem:v4+s26+$0x0], $0xffff  }
0x292: {  	v12 =	vld.idx.msk [tilespmem:v8+s26+$0x0], $0xffff;
	_ =	sdelay $0x3  }
0x293: {  	v9 =	vadd.f32 v10, v9;
	_ =	sdelay $0x1  }
0x294: {  	v9 =	vadd.f32 v12, v9;
	_ =	sdelay $0x1  }
0x295: {  	v9 =	vadd.f32 v11, v9;
	_ =	sdelay $0x1  }
0x296: {  	v9 =	vmul.f32 v9, v5;
	_ =	sdelay $0x1  }
0x297: {  	[tilespmem:s21+$0x10000] =	vst v9  }
0x298: {  	v9 =	vld.idx.msk [tilespmem:v6+s7+$0x0], $0xffff  }
0x299: {  	v10 =	vld.idx.msk [tilespmem:v7+s7+$0x0], $0xffff  }
0x29a: {  	v11 =	vld.idx.msk [tilespmem:v8+s7+$0x0], $0xffff;
	_ =	sdelay $0x2  }
0x29b: {  	v12 =	vld.idx.msk [tilespmem:v4+s7+$0x0], $0xffff;
	_ =	sdelay $0x1  }
0x29c: {  	v9 =	vadd.f32 v10, v9;
	_ =	sdelay $0x1  }
0x29d: {  	v9 =	vadd.f32 v11, v9;
	_ =	sdelay $0x1  }
0x29e: {  	v9 =	vadd.f32 v12, v9;
	_ =	sdelay $0x1  }
0x29f: {  	v9 =	vmul.f32 v9, v5;
	_ =	sdelay $0x1  }
0x2a0: {  	[tilespmem:s21+$0x11000] =	vst v9  }
0x2a1: {  	v9 =	vld.idx.msk [tilespmem:v6+s8+$0x0], $0xffff  }
0x2a2: {  	v10 =	vld.idx.msk [tilespmem:v7+s8+$0x0], $0xffff  }
0x2a3: {  	v11 =	vld.idx.msk [tilespmem:v4+s8+$0x0], $0xffff  }
0x2a4: {  	v12 =	vld.idx.msk [tilespmem:v8+s8+$0x0], $0xffff;
	_ =	sdelay $0x3  }
0x2a5: {  	v9 =	vadd.f32 v10, v9;
	_ =	sdelay $0x1  }
0x2a6: {  	v9 =	vadd.f32 v12, v9;
	_ =	sdelay $0x1  }
0x2a7: {  	v9 =	vadd.f32 v11, v9;
	_ =	sdelay $0x1  }
0x2a8: {  	v9 =	vmul.f32 v9, v5;
	_ =	sdelay $0x1  }
0x2a9: {  	[tilespmem:s21+$0x12000] =	vst v9  }
0x2aa: {  	v9 =	vld.idx.msk [tilespmem:v6+s9+$0x0], $0xffff  }
0x2ab: {  	v10 =	vld.idx.msk [tilespmem:v7+s9+$0x0], $0xffff  }
0x2ac: {  	v11 =	vld.idx.msk [tilespmem:v4+s9+$0x0], $0xffff  }
0x2ad: {  	v12 =	vld.idx.msk [tilespmem:v8+s9+$0x0], $0xffff;
	_ =	sdelay $0x3  }
0x2ae: {  	v9 =	vadd.f32 v10, v9;
	_ =	sdelay $0x1  }
0x2af: {  	v9 =	vadd.f32 v12, v9;
	_ =	sdelay $0x1  }
0x2b0: {  	v9 =	vadd.f32 v11, v9;
	_ =	sdelay $0x1  }
0x2b1: {  	v9 =	vmul.f32 v9, v5;
	_ =	sdelay $0x1  }
0x2b2: {  	[tilespmem:s21+$0x13000] =	vst v9  }
0x2b3: {  	v9 =	vld.idx.msk [tilespmem:v6+s10+$0x0], $0xffff  }
0x2b4: {  	v10 =	vld.idx.msk [tilespmem:v7+s10+$0x0], $0xffff  }
0x2b5: {  	v11 =	vld.idx.msk [tilespmem:v8+s10+$0x0], $0xffff  }
0x2b6: {  	v12 =	vld.idx.msk [tilespmem:v4+s10+$0x0], $0xffff;
	_ =	sdelay $0x3  }
0x2b7: {  	v9 =	vadd.f32 v10, v9;
	_ =	sdelay $0x1  }
0x2b8: {  	v9 =	vadd.f32 v11, v9;
	_ =	sdelay $0x1  }
0x2b9: {  	v9 =	vadd.f32 v12, v9;
	_ =	sdelay $0x1  }
0x2ba: {  	v9 =	vmul.f32 v9, v5;
	_ =	sdelay $0x1  }
0x2bb: {  	[tilespmem:s21+$0x14000] =	vst v9  }
0x2bc: {  	v9 =	vld.idx.msk [tilespmem:v6+s11+$0x0], $0xffff  }
0x2bd: {  	v10 =	vld.idx.msk [tilespmem:v7+s11+$0x0], $0xffff  }
0x2be: {  	v11 =	vld.idx.msk [tilespmem:v8+s11+$0x0], $0xffff  }
0x2bf: {  	v12 =	vld.idx.msk [tilespmem:v4+s11+$0x0], $0xffff;
	_ =	sdelay $0x3  }
0x2c0: {  	v9 =	vadd.f32 v10, v9;
	_ =	sdelay $0x1  }
0x2c1: {  	v9 =	vadd.f32 v11, v9;
	_ =	sdelay $0x1  }
0x2c2: {  	v9 =	vadd.f32 v12, v9;
	_ =	sdelay $0x1  }
0x2c3: {  	v9 =	vmul.f32 v9, v5;
	_ =	sdelay $0x1  }
0x2c4: {  	[tilespmem:s21+$0x15000] =	vst v9  }
0x2c5: {  	v9 =	vld.idx.msk [tilespmem:v6+s12+$0x0], $0xffff  }
0x2c6: {  	v10 =	vld.idx.msk [tilespmem:v7+s12+$0x0], $0xffff  }
0x2c7: {  	v11 =	vld.idx.msk [tilespmem:v8+s12+$0x0], $0xffff  }
0x2c8: {  	v12 =	vld.idx.msk [tilespmem:v4+s12+$0x0], $0xffff;
	_ =	sdelay $0x3  }
0x2c9: {  	v9 =	vadd.f32 v10, v9;
	_ =	sdelay $0x1  }
0x2ca: {  	v9 =	vadd.f32 v11, v9;
	_ =	sdelay $0x1  }
0x2cb: {  	v9 =	vadd.f32 v12, v9;
	_ =	sdelay $0x1  }
0x2cc: {  	v9 =	vmul.f32 v9, v5;
	_ =	sdelay $0x1  }
0x2cd: {  	[tilespmem:s21+$0x16000] =	vst v9  }
0x2ce: {  	v9 =	vld.idx.msk [tilespmem:v6+s13+$0x0], $0xffff  }
0x2cf: {  	v10 =	vld.idx.msk [tilespmem:v7+s13+$0x0], $0xffff  }
0x2d0: {  	v11 =	vld.idx.msk [tilespmem:v8+s13+$0x0], $0xffff  }
0x2d1: {  	v12 =	vld.idx.msk [tilespmem:v4+s13+$0x0], $0xffff;
	_ =	sdelay $0x3  }
0x2d2: {  	v9 =	vadd.f32 v10, v9;
	_ =	sdelay $0x1  }
0x2d3: {  	v9 =	vadd.f32 v11, v9;
	_ =	sdelay $0x1  }
0x2d4: {  	v9 =	vadd.f32 v12, v9;
	_ =	sdelay $0x1  }
0x2d5: {  	v9 =	vmul.f32 v9, v5  }
.Ltmp4:
0x2d6: {  	(pc) =	sbr.rel @p0 .LBB2_10-.Ltmp4, $4  }
0x2d7: {  	[tilespmem:s21+$0x17000] =	vst v9  }
0x2d8: {  	v6 =	vld.idx.msk [tilespmem:v6+s14+$0x0], $0xffff  }
0x2d9: {  	v9 =	vld.idx.msk [tilespmem:v7+s14+$0x0], $0xffff  }
0x2da: {  	v7 =	vld.idx.msk [tilespmem:v8+s14+$0x0], $0xffff  }
0x2db: {  	_ =	sdelay $0x3  }
0x2dc: {  	v4 =	vld.idx.msk [tilespmem:v4+s14+$0x0], $0xffff  }
0x2dd: {  	v6 =	vadd.f32 v9, v6;
	_ =	sdelay $0x1  }
0x2de: {  	v6 =	vadd.f32 v7, v6;
	_ =	sdelay $0x1  }
0x2df: {  	v4 =	vadd.f32 v4, v6;
	_ =	sdelay $0x1  }
0x2e0: {  	v4 =	vmul.f32 v4, v5;
	_ =	sdelay $0x1  }
0x2e1: {  	s2 =	simm.s32 $0x0;
	s19 =	rddreg [dreg:$0x3];
	[tilespmem:s21+$0x18000] =	vst v4  }
0x2e2: {  	[hbm4b:s19+s2] =	stream.linear.scatter [tilespmem:s31], [sflag:$0x3], $0x400, $0x38;
	[tilespmem:$0x1A000] =	vst v63  }
0x2e3: {  	_ =	swait.ge [sflag:s17], $0x400  }
0x2e4: {  	[sflag:s17] =	ssyncset.done $0x0  }
0x2e5: {  	s29 =	rddreg [dreg:$0x4];
	[sflag:s17] =	ssyncadd.s32 $0xFFFFFC00  }
0x2e6: {  	[hbm4b:s29+s2] =	stream.linear.scatter [tilespmem:s1], [sflag:$0x3], $0x400, $0x38;
	[tilespmem:$0x1A000] =	vst v63  }
0x2e7: {  	_ =	swait.ge [sflag:s17], $0x400  }
0x2e8: {  	[sflag:s17] =	ssyncset.done $0x0  }
0x2e9: {  	s20 =	rddreg [dreg:$0x5];
	[sflag:s17] =	ssyncadd.s32 $0xFFFFFC00  }
0x2ea: {  	[hbm4b:s20+s2] =	stream.linear.scatter [tilespmem:s0], [sflag:$0x3], $0x400, $0x38;
	[tilespmem:$0x1A000] =	vst v63  }
0x2eb: {  	_ =	swait.ge [sflag:s17], $0x400  }
0x2ec: {  	[sflag:s17] =	ssyncset.done $0x0  }
0x2ed: {  	s21 =	rddreg [dreg:$0x6];
	[sflag:s17] =	ssyncadd.s32 $0xFFFFFC00  }
0x2ee: {  	[hbm4b:s21+s2] =	stream.linear.scatter [tilespmem:s26], [sflag:$0x3], $0x400, $0x38;
	[tilespmem:$0x1A000] =	vst v63  }
0x2ef: {  	_ =	swait.ge [sflag:s17], $0x400  }
0x2f0: {  	[sflag:s17] =	ssyncset.done $0x0  }
0x2f1: {  	s22 =	rddreg [dreg:$0x8];
	[sflag:s17] =	ssyncadd.s32 $0xFFFFFC00  }
0x2f2: {  	[hbm4b:s22+s2] =	stream.linear.scatter [tilespmem:s7], [sflag:$0x3], $0x400, $0x38;
	[tilespmem:$0x1A000] =	vst v63  }
0x2f3: {  	_ =	swait.ge [sflag:s17], $0x400  }
0x2f4: {  	[sflag:s17] =	ssyncset.done $0x0  }
0x2f5: {  	s23 =	rddreg [dreg:$0x9];
	[sflag:s17] =	ssyncadd.s32 $0xFFFFFC00  }
0x2f6: {  	[hbm4b:s23+s2] =	stream.linear.scatter [tilespmem:s8], [sflag:$0x3], $0x400, $0x38;
	[tilespmem:$0x1A000] =	vst v63  }
0x2f7: {  	_ =	swait.ge [sflag:s17], $0x400  }
0x2f8: {  	[sflag:s17] =	ssyncset.done $0x0  }
0x2f9: {  	s25 =	rddreg [dreg:$0xa];
	[sflag:s17] =	ssyncadd.s32 $0xFFFFFC00  }
0x2fa: {  	[hbm4b:s25+s2] =	stream.linear.scatter [tilespmem:s9], [sflag:$0x3], $0x400, $0x38;
	[tilespmem:$0x1A000] =	vst v63  }
0x2fb: {  	_ =	swait.ge [sflag:s17], $0x400  }
0x2fc: {  	[sflag:s17] =	ssyncset.done $0x0  }
0x2fd: {  	s29 =	rddreg [dreg:$0xb];
	[sflag:s17] =	ssyncadd.s32 $0xFFFFFC00  }
0x2fe: {  	[hbm4b:s29+s2] =	stream.linear.scatter [tilespmem:s10], [sflag:$0x3], $0x400, $0x38;
	[tilespmem:$0x1A000] =	vst v63  }
0x2ff: {  	_ =	swait.ge [sflag:s17], $0x400  }
0x300: {  	[sflag:s17] =	ssyncset.done $0x0  }
0x301: {  	s20 =	rddreg [dreg:$0xc];
	[sflag:s17] =	ssyncadd.s32 $0xFFFFFC00  }
0x302: {  	[hbm4b:s20+s2] =	stream.linear.scatter [tilespmem:s11], [sflag:$0x3], $0x400, $0x38;
	[tilespmem:$0x1A000] =	vst v63  }
0x303: {  	_ =	swait.ge [sflag:s17], $0x400  }
0x304: {  	[sflag:s17] =	ssyncset.done $0x0  }
0x305: {  	s21 =	rddreg [dreg:$0xd];
	[sflag:s17] =	ssyncadd.s32 $0xFFFFFC00  }
0x306: {  	[hbm4b:s21+s2] =	stream.linear.scatter [tilespmem:s12], [sflag:$0x3], $0x400, $0x38;
	[tilespmem:$0x1A000] =	vst v63  }
0x307: {  	_ =	swait.ge [sflag:s17], $0x400  }
0x308: {  	[sflag:s17] =	ssyncset.done $0x0  }
0x309: {  	s22 =	rddreg [dreg:$0xe];
	[sflag:s17] =	ssyncadd.s32 $0xFFFFFC00  }
0x30a: {  	[hbm4b:s22+s2] =	stream.linear.scatter [tilespmem:s13], [sflag:$0x3], $0x400, $0x38;
	[tilespmem:$0x1A000] =	vst v63  }
0x30b: {  	_ =	swait.ge [sflag:s17], $0x400  }
0x30c: {  	[sflag:s17] =	ssyncset.done $0x0  }
0x30d: {  	s23 =	rddreg [dreg:$0xf];
	[sflag:s17] =	ssyncadd.s32 $0xFFFFFC00  }
0x30e: {  	[hbm4b:s23+s2] =	stream.linear.scatter [tilespmem:s14], [sflag:$0x3], $0x400, $0x38;
	[tilespmem:$0x1A000] =	vst v63  }
0x30f: {  	_ =	swait.ge [sflag:s17], $0x400  }
0x310: {  	s25 =	rddreg [dreg:$0x11]  }
0x311: {  	s29 =	rddreg [dreg:$0x10];
	s19 =	sadd.s32 $0x1, s25  }
0x312: {  	p0 =	sne.s32 s19, s29  }
.Ltmp5:
0x313: {  	_ = 	snop;
	(pc) =	sbr.rel @p0 .LBB2_1-.Ltmp5, $3  }
0x314: {  	_ =	sdelay $0x1  }
0x315: {  	[sflag:s17] =	ssyncset.done $0x0  }
0x316: {  	[sflag:s17] =	ssyncadd.s32 $0xFFFFFC00  }
0x317: {  	_ =	sfence.sel $0x180000  }
0x318: {  	[bflag:$0x0] =	sbarrier.arrive $0xFFFF  }
0x319: {  	_ =	strace $0x90000047  }
0x31a: {  	s0 =	stileid.u32;
	[bflag:$0x2] =	sbarrier.arrive $0xFFFF  }
0x31b: {  	p0 =	sne.s32 s0, $0x0;
	s0 =	rddreg [dreg:$0x1]  }
0x31c: {  	s0 =	sadd.s32 @!p0 $0x100000, s0  }
0x31d: {  	[sflag:s0] =	ssyncadd.tile.s32 @!p0 $0x1;
	_ =	shalt  }
.Lfunc_end2:
_tile_overlayer_lowered:
.L_overlay_start_2:
0x31e: {  	(tag) =	ssettag $0x2  }
0x31f: {  	s0 =	rddreg [dreg:$0x0];
	s2 =	stileid.u32  }
0x320: {  	s1 =	rddreg [dreg:$0x1];
	p0 =	sne.s32 s2, $0x0  }
0x321: {  	s3 =	rddreg [dreg:$0x2];
	[bflag:$0x3] =	sbarrier.arrive $0xFFFF;
	s2 =	simm.s32 @!p0 $0x1C03  }
0x322: {  	[timem:s3], [sflag:s2] =	dma.local @!p0 [hbm:s0], s1  }
0x323: {  	s0 =	simm.s32 @!p0 $0x3  }
0x324: {  	_ =	swait.ge @!p0 [sflag:s0], s1  }
0x325: {  	s1 =	ssub.s32 @!p0 $0x0, s1;
	[sflag:s0] =	ssyncset.done @!p0 $0x0  }
0x326: {  	[sflag:s0] =	ssyncadd.s32 @!p0 s1  }
0x327: {  	[bflag:$0x3] =	sbarrier.arrive $0xFFFF  }
0x328: {  	_ =	shalt  }

</sc_bundles>
